<compile_context>
chip_gen: v7x
topology: tpu7x:2x2x1
jax: 0.10.2.dev20260603
libtpu: 0.0.44.dev20260713+nightly
codegen_flags: <defaults>
</compile_context>

<pallas_src>
import functools

import jax
import jax.numpy as jnp
from jax import lax
from jax.experimental import pallas as pl
from jax.experimental.pallas import tpu as pltpu
from jax.experimental.pallas import tpu_sc as plsc

_D = 64
_CHUNK = 128
_NBUF = 5
_NW = 32
_V = 1000000
_VB = 16384
_TB = 16384
_S = 50
_B = 16384


def _pack_table(wt):
    def body(x_ref, y_ref):
        x = x_ref[...]
        xt = jnp.transpose(x)
        y_ref[...] = jnp.concatenate(
            [xt, jnp.zeros((_VB, 128 - _D), jnp.float32)], axis=1)

    return pl.pallas_call(
        body,
        grid=(pl.cdiv(_V, _VB),),
        in_specs=[pl.BlockSpec((_D, _VB), lambda j: (0, j))],
        out_specs=pl.BlockSpec((_VB, 128), lambda j: (j, 0)),
        out_shape=jax.ShapeDtypeStruct((_V, 128), jnp.float32),
    )(wt)


def _unpack_out(g3):
    def body(x_ref, y_ref):
        x = x_ref[0]
        y_ref[0] = jnp.concatenate(
            [jnp.transpose(x[:, :_D]), jnp.transpose(x[:, _D:])], axis=1)

    return pl.pallas_call(
        body,
        grid=(_S, _B // _TB),
        in_specs=[pl.BlockSpec((1, _TB // 2, 128), lambda s, j: (s, j, 0))],
        out_specs=pl.BlockSpec((1, _D, _TB), lambda s, j: (s, 0, j)),
        out_shape=jax.ShapeDtypeStruct((_S, _D, _B), jnp.float32),
    )(g3)


def _embed_lookup(flat_ids, table):
    B = flat_ids.shape[0]
    assert B % (_NW * _CHUNK * _NBUF) == 0
    n_chunks = B // (_NW * _CHUNK)
    n_outer = n_chunks // _NBUF
    idx2d = flat_ids.reshape(B // _CHUNK, _CHUNK)

    mesh = plsc.VectorSubcoreMesh(core_axis_name="c", subcore_axis_name="s")

    @functools.partial(
        pl.kernel,
        out_type=jax.ShapeDtypeStruct((B // 2, 128), jnp.float32),
        mesh=mesh,
        scratch_types=[
            pltpu.VMEM((n_chunks, _CHUNK), jnp.int32),
            pltpu.VMEM((_NBUF, _CHUNK, 128), jnp.float32),
            pltpu.SemaphoreType.DMA((_NBUF,)),
            pltpu.SemaphoreType.DMA((_NBUF,)),
        ],
        compiler_params=pltpu.CompilerParams(use_tc_tiling_on_sc=False),
    )
    def body(idx_hbm, table_hbm, out_hbm, idx_v, rows_v, sem_g, sem_w):
        wid = lax.axis_index("s") * 2 + lax.axis_index("c")
        row_base = wid * n_chunks
        pltpu.sync_copy(idx_hbm.at[pl.ds(row_base, n_chunks)], idx_v)

        def dst_slot(j):
            half = _TB // 2
            c = row_base + j
            s = c >> 7
            b0 = (c << 7) & (_B - 1)
            jblk = b0 // _TB
            k0 = b0 % half
            h = (b0 // half) & 1
            return s * (_B // 2) + jblk * half + k0, h

        def start_gather(j, b):
            pltpu.async_copy(table_hbm.at[idx_v.at[j]], rows_v.at[b],
                             sem_g.at[b])

        def wait_gather(j, b):
            pltpu.make_async_copy(table_hbm.at[idx_v.at[j]], rows_v.at[b],
                                  sem_g.at[b]).wait()

        def start_write(j, b):
            r, h = dst_slot(j)
            pltpu.async_copy(
                rows_v.at[b, :, pl.ds(0, _D)],
                out_hbm.at[pl.ds(r, _CHUNK), pl.ds(h * _D, _D)],
                sem_w.at[b])

        def wait_write(b):
            pltpu.make_async_copy(
                rows_v.at[b, :, pl.ds(0, _D)],
                out_hbm.at[pl.ds(0, _CHUNK), pl.ds(0, _D)],
                sem_w.at[b]).wait()

        for b in range(_NBUF):
            start_gather(b, b)

        def outer(g, carry):
            for b in range(_NBUF):
                j = g * _NBUF + b
                wait_gather(j, b)
                start_write(j, b)
            for b in range(_NBUF):
                jn = (g + 1) * _NBUF + b
                wait_write(b)
                start_gather(jn, b)
            return carry

        lax.fori_loop(0, n_outer - 1, outer, 0)

        gl = n_outer - 1
        for b in range(_NBUF):
            j = gl * _NBUF + b
            wait_gather(j, b)
            start_write(j, b)
        for b in range(_NBUF):
            wait_write(b)

    return body(idx2d, table)


def kernel(token_ids, weight):
    ids_flat = token_ids.T.astype(jnp.int32).reshape(-1)
    table = _pack_table(weight.T)
    g = _embed_lookup(ids_flat, table)
    out_t = _unpack_out(g.reshape(_S, _B // 2, 128))
    return jnp.transpose(out_t, (2, 0, 1))

# --- scband reference (transcript-rebuilt; emitter-appended) ---
"""Pipeline reference for scband-embedding-72301479461467 (READ-ONLY COPY).

The authoritative reference and input builder live on the scoring server;
editing this copy changes nothing except your own understanding.
"""

import jax, jax.numpy as jnp
import numpy as np

NUM_EMBEDDINGS = 1000000
EMBEDDING_DIM = 64

def setup_inputs(seed: int = 0) -> dict:
    key = jax.random.key(seed)
    k_idx, k_w = jax.random.split(key)
    token_ids = jax.random.randint(k_idx, (16384, 50), 0, NUM_EMBEDDINGS, dtype=jnp.int64 if jax.config.jax_enable_x64 else jnp.int32)
    # truncated normal init with std=1.0, truncated at +/-3 std
    weight = jax.random.truncated_normal(k_w, -3.0, 3.0, (NUM_EMBEDDINGS, EMBEDDING_DIM), dtype=jnp.float32)
    return {"token_ids": token_ids, "weight": weight}

def reference(token_ids, weight):
    # Embedding lookup: weight[token_ids] -> [..., d_model]
    return jnp.take(weight, token_ids, axis=0)

if __name__ == "__main__":
    import jax
    _d = setup_inputs()
    print(jax.jit(kernel)(*tuple(_d.values())))

</pallas_src>

<mosaic_0001>
#map = affine_map<(d0, d1) -> (0, 0)>
module attributes {stable_mosaic.version = 14 : i64} {
  func.func @body(%arg0: i32, %arg1: i32, %arg2: memref<6400x128xi32, #tpu.memory_space<hbm>>, %arg3: memref<1000000x128xf32, #tpu.memory_space<hbm>>, %arg4: memref<409600x128xf32, #tpu.memory_space<hbm>>, %arg5: memref<200x128xi32, #tpu.memory_space<vmem>>, %arg6: memref<5x128x128xf32, #tpu.memory_space<vmem>>, %arg7: memref<5x!tpu.dma_semaphore, #tpu.memory_space<semaphore_mem>>, %arg8: memref<5x!tpu.dma_semaphore, #tpu.memory_space<semaphore_mem>>) attributes {dimension_semantics = [#tpu.dimension_semantics<core_parallel>, #tpu.dimension_semantics<subcore_parallel>], iteration_bounds = array<i64: 2, 16>, scalar_prefetch = 0 : i64, scratch_operands = 4 : i64, tpu.core_type = #tpu.core_type<sc_vector_subcore>, window_params = [{transform_indices = #map}, {transform_indices = #map}, {transform_indices = #map}]} {
    %mul3A = arith.constant 2 : i32
    %mul3A_0 = arith.muli %arg1, %mul3A : i32
    %add3A = arith.addi %mul3A_0, %arg0 : i32
    %mul3A_1 = arith.constant 200 : i32
    %mul3A_2 = arith.muli %add3A, %mul3A_1 : i32
    "tpu.region"() ({
      %run_scoped3A = tpu.sem_alloc : memref<!tpu.dma_semaphore, #tpu.memory_space<semaphore_mem>>
      %dma_start3A_714 = arith.constant 0 : i32
      %dma_start3A_715 = tpu.memref_slice %arg2[%mul3A_2, %dma_start3A_714] : memref<6400x128xi32, #tpu.memory_space<hbm>> -> memref<200x128xi32, #tpu.memory_space<hbm>>
      %dma_start3A_716 = arith.constant 0 : i32
      %dma_start3A_717 = tpu.memref_slice %arg2[%mul3A_2, %dma_start3A_716] : memref<6400x128xi32, #tpu.memory_space<hbm>> -> memref<200x128xi32, #tpu.memory_space<hbm>>
      tpu.enqueue_dma source(%dma_start3A_717 : memref<200x128xi32, #tpu.memory_space<hbm>>) target(%arg5 : memref<200x128xi32, #tpu.memory_space<vmem>>) target_semaphore(%run_scoped3A : memref<!tpu.dma_semaphore, #tpu.memory_space<semaphore_mem>>)
      %dma_wait3A_718 = arith.constant 0 : i32
      %dma_wait3A_719 = tpu.memref_slice %arg2[%mul3A_2, %dma_wait3A_718] : memref<6400x128xi32, #tpu.memory_space<hbm>> -> memref<200x128xi32, #tpu.memory_space<hbm>>
      %dma_wait3A_720 = arith.constant 0 : i32
      %dma_wait3A_721 = tpu.memref_slice %arg2[%mul3A_2, %dma_wait3A_720] : memref<6400x128xi32, #tpu.memory_space<hbm>> -> memref<200x128xi32, #tpu.memory_space<hbm>>
      tpu.wait_dma2 semaphore(%run_scoped3A : memref<!tpu.dma_semaphore, #tpu.memory_space<semaphore_mem>>) src(%dma_wait3A_721 : memref<200x128xi32, #tpu.memory_space<hbm>>) dst(%arg5 : memref<200x128xi32, #tpu.memory_space<vmem>>)
      tpu.yield
    }) : () -> ()
    %dma_start3A = arith.constant 0 : i32
    %dma_start3A_3 = arith.constant 0 : i32
    %dma_start3A_4 = arith.constant 0 : i32
    %dma_start3A_5 = arith.constant 0 : i32
    %dma_start3A_6 = arith.constant 0 : i32
    %dma_start3A_7 = tpu.memref_slice %arg6[%dma_start3A_3, %dma_start3A_5, %dma_start3A_6] : memref<5x128x128xf32, #tpu.memory_space<vmem>> -> memref<1x128x128xf32, #tpu.memory_space<vmem>>
    %dma_start3A_8 = tpu.memref_squeeze %dma_start3A_7 : memref<1x128x128xf32, #tpu.memory_space<vmem>> -> memref<128x128xf32, #tpu.memory_space<vmem>>
    %dma_start3A_9 = arith.constant 0 : i32
    %dma_start3A_10 = tpu.memref_slice %arg5[%dma_start3A, %dma_start3A_9] : memref<200x128xi32, #tpu.memory_space<vmem>> -> memref<1x128xi32, #tpu.memory_space<vmem>>
    %dma_start3A_11 = tpu.memref_squeeze %dma_start3A_10 : memref<1x128xi32, #tpu.memory_space<vmem>> -> memref<128xi32, #tpu.memory_space<vmem>>
    %dma_start3A_12 = arith.constant 0 : i32
    %dma_start3A_13 = arith.constant 0 : i32
    %dma_start3A_14 = tpu.memref_slice %arg3[%dma_start3A_12, %dma_start3A_13] : memref<1000000x128xf32, #tpu.memory_space<hbm>> -> memref<1000000x128xf32, #tpu.memory_space<hbm>>
    %dma_start3A_15 = tpu.memref_slice %arg7[%dma_start3A_4] : memref<5x!tpu.dma_semaphore, #tpu.memory_space<semaphore_mem>> -> memref<1x!tpu.dma_semaphore, #tpu.memory_space<semaphore_mem>>
    %dma_start3A_16 = tpu.memref_squeeze %dma_start3A_15 : memref<1x!tpu.dma_semaphore, #tpu.memory_space<semaphore_mem>> -> memref<!tpu.dma_semaphore, #tpu.memory_space<semaphore_mem>>
    tpu.enqueue_indirect_dma source(%dma_start3A_14 : memref<1000000x128xf32, #tpu.memory_space<hbm>>) target(%dma_start3A_8 : memref<128x128xf32, #tpu.memory_space<vmem>>) offsets(%dma_start3A_11 : memref<128xi32, #tpu.memory_space<vmem>>) semaphore(%dma_start3A_16 : memref<!tpu.dma_semaphore, #tpu.memory_space<semaphore_mem>>)
    %dma_start3A_17 = arith.constant 1 : i32
    %dma_start3A_18 = arith.constant 1 : i32
    %dma_start3A_19 = arith.constant 1 : i32
    %dma_start3A_20 = arith.constant 0 : i32
    %dma_start3A_21 = arith.constant 0 : i32
    %dma_start3A_22 = tpu.memref_slice %arg6[%dma_start3A_18, %dma_start3A_20, %dma_start3A_21] : memref<5x128x128xf32, #tpu.memory_space<vmem>> -> memref<1x128x128xf32, #tpu.memory_space<vmem>>
    %dma_start3A_23 = tpu.memref_squeeze %dma_start3A_22 : memref<1x128x128xf32, #tpu.memory_space<vmem>> -> memref<128x128xf32, #tpu.memory_space<vmem>>
    %dma_start3A_24 = arith.constant 0 : i32
    %dma_start3A_25 = tpu.memref_slice %arg5[%dma_start3A_17, %dma_start3A_24] : memref<200x128xi32, #tpu.memory_space<vmem>> -> memref<1x128xi32, #tpu.memory_space<vmem>>
    %dma_start3A_26 = tpu.memref_squeeze %dma_start3A_25 : memref<1x128xi32, #tpu.memory_space<vmem>> -> memref<128xi32, #tpu.memory_space<vmem>>
    %dma_start3A_27 = arith.constant 0 : i32
    %dma_start3A_28 = arith.constant 0 : i32
    %dma_start3A_29 = tpu.memref_slice %arg3[%dma_start3A_27, %dma_start3A_28] : memref<1000000x128xf32, #tpu.memory_space<hbm>> -> memref<1000000x128xf32, #tpu.memory_space<hbm>>
    %dma_start3A_30 = tpu.memref_slice %arg7[%dma_start3A_19] : memref<5x!tpu.dma_semaphore, #tpu.memory_space<semaphore_mem>> -> memref<1x!tpu.dma_semaphore, #tpu.memory_space<semaphore_mem>>
    %dma_start3A_31 = tpu.memref_squeeze %dma_start3A_30 : memref<1x!tpu.dma_semaphore, #tpu.memory_space<semaphore_mem>> -> memref<!tpu.dma_semaphore, #tpu.memory_space<semaphore_mem>>
    tpu.enqueue_indirect_dma source(%dma_start3A_29 : memref<1000000x128xf32, #tpu.memory_space<hbm>>) target(%dma_start3A_23 : memref<128x128xf32, #tpu.memory_space<vmem>>) offsets(%dma_start3A_26 : memref<128xi32, #tpu.memory_space<vmem>>) semaphore(%dma_start3A_31 : memref<!tpu.dma_semaphore, #tpu.memory_space<semaphore_mem>>)
    %dma_start3A_32 = arith.constant 2 : i32
    %dma_start3A_33 = arith.constant 2 : i32
    %dma_start3A_34 = arith.constant 2 : i32
    %dma_start3A_35 = arith.constant 0 : i32
    %dma_start3A_36 = arith.constant 0 : i32
    %dma_start3A_37 = tpu.memref_slice %arg6[%dma_start3A_33, %dma_start3A_35, %dma_start3A_36] : memref<5x128x128xf32, #tpu.memory_space<vmem>> -> memref<1x128x128xf32, #tpu.memory_space<vmem>>
    %dma_start3A_38 = tpu.memref_squeeze %dma_start3A_37 : memref<1x128x128xf32, #tpu.memory_space<vmem>> -> memref<128x128xf32, #tpu.memory_space<vmem>>
    %dma_start3A_39 = arith.constant 0 : i32
    %dma_start3A_40 = tpu.memref_slice %arg5[%dma_start3A_32, %dma_start3A_39] : memref<200x128xi32, #tpu.memory_space<vmem>> -> memref<1x128xi32, #tpu.memory_space<vmem>>
    %dma_start3A_41 = tpu.memref_squeeze %dma_start3A_40 : memref<1x128xi32, #tpu.memory_space<vmem>> -> memref<128xi32, #tpu.memory_space<vmem>>
    %dma_start3A_42 = arith.constant 0 : i32
    %dma_start3A_43 = arith.constant 0 : i32
    %dma_start3A_44 = tpu.memref_slice %arg3[%dma_start3A_42, %dma_start3A_43] : memref<1000000x128xf32, #tpu.memory_space<hbm>> -> memref<1000000x128xf32, #tpu.memory_space<hbm>>
    %dma_start3A_45 = tpu.memref_slice %arg7[%dma_start3A_34] : memref<5x!tpu.dma_semaphore, #tpu.memory_space<semaphore_mem>> -> memref<1x!tpu.dma_semaphore, #tpu.memory_space<semaphore_mem>>
    %dma_start3A_46 = tpu.memref_squeeze %dma_start3A_45 : memref<1x!tpu.dma_semaphore, #tpu.memory_space<semaphore_mem>> -> memref<!tpu.dma_semaphore, #tpu.memory_space<semaphore_mem>>
    tpu.enqueue_indirect_dma source(%dma_start3A_44 : memref<1000000x128xf32, #tpu.memory_space<hbm>>) target(%dma_start3A_38 : memref<128x128xf32, #tpu.memory_space<vmem>>) offsets(%dma_start3A_41 : memref<128xi32, #tpu.memory_space<vmem>>) semaphore(%dma_start3A_46 : memref<!tpu.dma_semaphore, #tpu.memory_space<semaphore_mem>>)
    %dma_start3A_47 = arith.constant 3 : i32
    %dma_start3A_48 = arith.constant 3 : i32
    %dma_start3A_49 = arith.constant 3 : i32
    %dma_start3A_50 = arith.constant 0 : i32
    %dma_start3A_51 = arith.constant 0 : i32
    %dma_start3A_52 = tpu.memref_slice %arg6[%dma_start3A_48, %dma_start3A_50, %dma_start3A_51] : memref<5x128x128xf32, #tpu.memory_space<vmem>> -> memref<1x128x128xf32, #tpu.memory_space<vmem>>
    %dma_start3A_53 = tpu.memref_squeeze %dma_start3A_52 : memref<1x128x128xf32, #tpu.memory_space<vmem>> -> memref<128x128xf32, #tpu.memory_space<vmem>>
    %dma_start3A_54 = arith.constant 0 : i32
    %dma_start3A_55 = tpu.memref_slice %arg5[%dma_start3A_47, %dma_start3A_54] : memref<200x128xi32, #tpu.memory_space<vmem>> -> memref<1x128xi32, #tpu.memory_space<vmem>>
    %dma_start3A_56 = tpu.memref_squeeze %dma_start3A_55 : memref<1x128xi32, #tpu.memory_space<vmem>> -> memref<128xi32, #tpu.memory_space<vmem>>
    %dma_start3A_57 = arith.constant 0 : i32
    %dma_start3A_58 = arith.constant 0 : i32
    %dma_start3A_59 = tpu.memref_slice %arg3[%dma_start3A_57, %dma_start3A_58] : memref<1000000x128xf32, #tpu.memory_space<hbm>> -> memref<1000000x128xf32, #tpu.memory_space<hbm>>
    %dma_start3A_60 = tpu.memref_slice %arg7[%dma_start3A_49] : memref<5x!tpu.dma_semaphore, #tpu.memory_space<semaphore_mem>> -> memref<1x!tpu.dma_semaphore, #tpu.memory_space<semaphore_mem>>
    %dma_start3A_61 = tpu.memref_squeeze %dma_start3A_60 : memref<1x!tpu.dma_semaphore, #tpu.memory_space<semaphore_mem>> -> memref<!tpu.dma_semaphore, #tpu.memory_space<semaphore_mem>>
    tpu.enqueue_indirect_dma source(%dma_start3A_59 : memref<1000000x128xf32, #tpu.memory_space<hbm>>) target(%dma_start3A_53 : memref<128x128xf32, #tpu.memory_space<vmem>>) offsets(%dma_start3A_56 : memref<128xi32, #tpu.memory_space<vmem>>) semaphore(%dma_start3A_61 : memref<!tpu.dma_semaphore, #tpu.memory_space<semaphore_mem>>)
    %dma_start3A_62 = arith.constant 4 : i32
    %dma_start3A_63 = arith.constant 4 : i32
    %dma_start3A_64 = arith.constant 4 : i32
    %dma_start3A_65 = arith.constant 0 : i32
    %dma_start3A_66 = arith.constant 0 : i32
    %dma_start3A_67 = tpu.memref_slice %arg6[%dma_start3A_63, %dma_start3A_65, %dma_start3A_66] : memref<5x128x128xf32, #tpu.memory_space<vmem>> -> memref<1x128x128xf32, #tpu.memory_space<vmem>>
    %dma_start3A_68 = tpu.memref_squeeze %dma_start3A_67 : memref<1x128x128xf32, #tpu.memory_space<vmem>> -> memref<128x128xf32, #tpu.memory_space<vmem>>
    %dma_start3A_69 = arith.constant 0 : i32
    %dma_start3A_70 = tpu.memref_slice %arg5[%dma_start3A_62, %dma_start3A_69] : memref<200x128xi32, #tpu.memory_space<vmem>> -> memref<1x128xi32, #tpu.memory_space<vmem>>
    %dma_start3A_71 = tpu.memref_squeeze %dma_start3A_70 : memref<1x128xi32, #tpu.memory_space<vmem>> -> memref<128xi32, #tpu.memory_space<vmem>>
    %dma_start3A_72 = arith.constant 0 : i32
    %dma_start3A_73 = arith.constant 0 : i32
    %dma_start3A_74 = tpu.memref_slice %arg3[%dma_start3A_72, %dma_start3A_73] : memref<1000000x128xf32, #tpu.memory_space<hbm>> -> memref<1000000x128xf32, #tpu.memory_space<hbm>>
    %dma_start3A_75 = tpu.memref_slice %arg7[%dma_start3A_64] : memref<5x!tpu.dma_semaphore, #tpu.memory_space<semaphore_mem>> -> memref<1x!tpu.dma_semaphore, #tpu.memory_space<semaphore_mem>>
    %dma_start3A_76 = tpu.memref_squeeze %dma_start3A_75 : memref<1x!tpu.dma_semaphore, #tpu.memory_space<semaphore_mem>> -> memref<!tpu.dma_semaphore, #tpu.memory_space<semaphore_mem>>
    tpu.enqueue_indirect_dma source(%dma_start3A_74 : memref<1000000x128xf32, #tpu.memory_space<hbm>>) target(%dma_start3A_68 : memref<128x128xf32, #tpu.memory_space<vmem>>) offsets(%dma_start3A_71 : memref<128xi32, #tpu.memory_space<vmem>>) semaphore(%dma_start3A_76 : memref<!tpu.dma_semaphore, #tpu.memory_space<semaphore_mem>>)
    %scan3A = arith.constant 0 : i32
    %scan3A_77 = arith.constant 0 : i32
    %scan3A_78 = arith.constant 39 : i32
    %scan3A_79 = arith.addi %scan3A_77, %scan3A_78 : i32
    %scan3A_80 = arith.constant 1 : i32
    scf.for %scan3A_714 = %scan3A_77 to %scan3A_79 step %scan3A_80  : i32 {
      %mul3A_715 = arith.constant 5 : i32
      %mul3A_716 = arith.muli %scan3A_714, %mul3A_715 : i32
      %add3A_717 = arith.constant 0 : i32
      %add3A_718 = arith.addi %mul3A_716, %add3A_717 : i32
      %dma_wait3A_719 = arith.constant 0 : i32
      %dma_wait3A_720 = arith.constant 0 : i32
      %dma_wait3A_721 = arith.constant 0 : i32
      %dma_wait3A_722 = arith.constant 0 : i32
      %dma_wait3A_723 = tpu.memref_slice %arg6[%dma_wait3A_719, %dma_wait3A_721, %dma_wait3A_722] : memref<5x128x128xf32, #tpu.memory_space<vmem>> -> memref<1x128x128xf32, #tpu.memory_space<vmem>>
      %dma_wait3A_724 = tpu.memref_squeeze %dma_wait3A_723 : memref<1x128x128xf32, #tpu.memory_space<vmem>> -> memref<128x128xf32, #tpu.memory_space<vmem>>
      %dma_wait3A_725 = arith.constant 0 : i32
      %dma_wait3A_726 = tpu.memref_slice %arg5[%add3A_718, %dma_wait3A_725] : memref<200x128xi32, #tpu.memory_space<vmem>> -> memref<1x128xi32, #tpu.memory_space<vmem>>
      %dma_wait3A_727 = tpu.memref_squeeze %dma_wait3A_726 : memref<1x128xi32, #tpu.memory_space<vmem>> -> memref<128xi32, #tpu.memory_space<vmem>>
      %dma_wait3A_728 = arith.constant 0 : i32
      %dma_wait3A_729 = arith.constant 0 : i32
      %dma_wait3A_730 = tpu.memref_slice %arg3[%dma_wait3A_728, %dma_wait3A_729] : memref<1000000x128xf32, #tpu.memory_space<hbm>> -> memref<1000000x128xf32, #tpu.memory_space<hbm>>
      %dma_wait3A_731 = tpu.memref_slice %arg7[%dma_wait3A_720] : memref<5x!tpu.dma_semaphore, #tpu.memory_space<semaphore_mem>> -> memref<1x!tpu.dma_semaphore, #tpu.memory_space<semaphore_mem>>
      %dma_wait3A_732 = tpu.memref_squeeze %dma_wait3A_731 : memref<1x!tpu.dma_semaphore, #tpu.memory_space<semaphore_mem>> -> memref<!tpu.dma_semaphore, #tpu.memory_space<semaphore_mem>>
      tpu.wait_indirect_dma semaphore(%dma_wait3A_732 : memref<!tpu.dma_semaphore, #tpu.memory_space<semaphore_mem>>) src(%dma_wait3A_730 : memref<1000000x128xf32, #tpu.memory_space<hbm>>) dst(%dma_wait3A_724 : memref<128x128xf32, #tpu.memory_space<vmem>>)
      %add3A_733 = arith.addi %mul3A_2, %add3A_718 : i32
      %shift_right_arithmetic3A_734 = arith.constant 7 : i32
      %shift_right_arithmetic3A_735 = arith.shrsi %add3A_733, %shift_right_arithmetic3A_734 : i32
      %shift_left3A_736 = arith.constant 7 : i32
      %shift_left3A_737 = arith.shli %add3A_733, %shift_left3A_736 : i32
      %and3A_738 = arith.constant 16383 : i32
      %and3A_739 = arith.andi %shift_left3A_737, %and3A_738 : i32
      %jit3A_740 = arith.constant 16384 : i32
      %div3A_741 = arith.divsi %and3A_739, %jit3A_740 : i32
      %sign3A_742 = arith.constant 0 : i32
      %sign3A_743 = arith.cmpi sgt, %and3A_739, %sign3A_742 : i32
      %sign3A_744 = arith.extui %sign3A_743 : i1 to i32
      %sign3A_745 = arith.constant 0 : i32
      %sign3A_746 = arith.cmpi slt, %and3A_739, %sign3A_745 : i32
      %sign3A_747 = arith.extui %sign3A_746 : i1 to i32
      %sign3A_748 = arith.subi %sign3A_744, %sign3A_747 : i32
      %sign3A_749 = arith.constant 0 : i32
      %sign3A_750 = arith.cmpi sgt, %jit3A_740, %sign3A_749 : i32
      %sign3A_751 = arith.extui %sign3A_750 : i1 to i32
      %sign3A_752 = arith.constant 0 : i32
      %sign3A_753 = arith.cmpi slt, %jit3A_740, %sign3A_752 : i32
      %sign3A_754 = arith.extui %sign3A_753 : i1 to i32
      %sign3A_755 = arith.subi %sign3A_751, %sign3A_754 : i32
      %ne3A_756 = arith.cmpi ne, %sign3A_748, %sign3A_755 : i32
      %rem3A_757 = arith.remsi %and3A_739, %jit3A_740 : i32
      %ne3A_758 = arith.constant 0 : i32
      %ne3A_759 = arith.cmpi ne, %rem3A_757, %ne3A_758 : i32
      %and3A_760 = arith.andi %ne3A_756, %ne3A_759 : i1
      %sub3A_761 = arith.constant 1 : i32
      %sub3A_762 = arith.subi %div3A_741, %sub3A_761 : i32
      %select_n3A_763 = arith.select %and3A_760, %sub3A_762, %div3A_741 : i32
      %jit3A_764 = arith.constant 8192 : i32
      %eq3A_765 = arith.constant 0 : i32
      %eq3A_766 = arith.cmpi eq, %jit3A_764, %eq3A_765 : i32
      %jit3A_767 = arith.constant 1 : i32
      %select_n3A_768 = arith.select %eq3A_766, %jit3A_767, %jit3A_764 : i32
      %rem3A_769 = arith.remsi %and3A_739, %select_n3A_768 : i32
      %ne3A_770 = arith.constant 0 : i32
      %ne3A_771 = arith.cmpi ne, %rem3A_769, %ne3A_770 : i32
      %lt3A_772 = arith.constant 0 : i32
      %lt3A_773 = arith.cmpi slt, %rem3A_769, %lt3A_772 : i32
      %lt3A_774 = arith.constant 0 : i32
      %lt3A_775 = arith.cmpi slt, %select_n3A_768, %lt3A_774 : i32
      %ne3A_776 = arith.xori %lt3A_773, %lt3A_775 : i1
      %and3A_777 = arith.andi %ne3A_776, %ne3A_771 : i1
      %add3A_778 = arith.addi %rem3A_769, %select_n3A_768 : i32
      %select_n3A_779 = arith.select %and3A_777, %add3A_778, %rem3A_769 : i32
      %jit3A_780 = arith.constant 8192 : i32
      %div3A_781 = arith.divsi %and3A_739, %jit3A_780 : i32
      %sign3A_782 = arith.constant 0 : i32
      %sign3A_783 = arith.cmpi sgt, %and3A_739, %sign3A_782 : i32
      %sign3A_784 = arith.extui %sign3A_783 : i1 to i32
      %sign3A_785 = arith.constant 0 : i32
      %sign3A_786 = arith.cmpi slt, %and3A_739, %sign3A_785 : i32
      %sign3A_787 = arith.extui %sign3A_786 : i1 to i32
      %sign3A_788 = arith.subi %sign3A_784, %sign3A_787 : i32
      %sign3A_789 = arith.constant 0 : i32
      %sign3A_790 = arith.cmpi sgt, %jit3A_780, %sign3A_789 : i32
      %sign3A_791 = arith.extui %sign3A_790 : i1 to i32
      %sign3A_792 = arith.constant 0 : i32
      %sign3A_793 = arith.cmpi slt, %jit3A_780, %sign3A_792 : i32
      %sign3A_794 = arith.extui %sign3A_793 : i1 to i32
      %sign3A_795 = arith.subi %sign3A_791, %sign3A_794 : i32
      %ne3A_796 = arith.cmpi ne, %sign3A_788, %sign3A_795 : i32
      %rem3A_797 = arith.remsi %and3A_739, %jit3A_780 : i32
      %ne3A_798 = arith.constant 0 : i32
      %ne3A_799 = arith.cmpi ne, %rem3A_797, %ne3A_798 : i32
      %and3A_800 = arith.andi %ne3A_796, %ne3A_799 : i1
      %sub3A_801 = arith.constant 1 : i32
      %sub3A_802 = arith.subi %div3A_781, %sub3A_801 : i32
      %select_n3A_803 = arith.select %and3A_800, %sub3A_802, %div3A_781 : i32
      %and3A_804 = arith.constant 1 : i32
      %and3A_805 = arith.andi %select_n3A_803, %and3A_804 : i32
      %mul3A_806 = arith.constant 8192 : i32
      %mul3A_807 = arith.muli %shift_right_arithmetic3A_735, %mul3A_806 : i32
      %mul3A_808 = arith.constant 8192 : i32
      %mul3A_809 = arith.muli %select_n3A_763, %mul3A_808 : i32
      %add3A_810 = arith.addi %mul3A_807, %mul3A_809 : i32
      %add3A_811 = arith.addi %add3A_810, %select_n3A_779 : i32
      %mul3A_812 = arith.constant 64 : i32
      %mul3A_813 = arith.muli %and3A_805, %mul3A_812 : i32
      %dma_start3A_814 = arith.constant 0 : i32
      %dma_start3A_815 = arith.constant 0 : i32
      %dma_start3A_816 = arith.constant 0 : i32
      %dma_start3A_817 = arith.constant 0 : i32
      %dma_start3A_818 = tpu.memref_slice %arg6[%dma_start3A_814, %dma_start3A_816, %dma_start3A_817] : memref<5x128x128xf32, #tpu.memory_space<vmem>> -> memref<1x128x64xf32, #tpu.memory_space<vmem>>
      %dma_start3A_819 = tpu.memref_squeeze %dma_start3A_818 : memref<1x128x64xf32, #tpu.memory_space<vmem>> -> memref<128x64xf32, #tpu.memory_space<vmem>>
      %dma_start3A_820 = tpu.memref_slice %arg4[%add3A_811, %mul3A_813] : memref<409600x128xf32, #tpu.memory_space<hbm>> -> memref<128x64xf32, #tpu.memory_space<hbm>>
      %dma_start3A_821 = tpu.memref_slice %arg8[%dma_start3A_815] : memref<5x!tpu.dma_semaphore, #tpu.memory_space<semaphore_mem>> -> memref<1x!tpu.dma_semaphore, #tpu.memory_space<semaphore_mem>>
      %dma_start3A_822 = tpu.memref_squeeze %dma_start3A_821 : memref<1x!tpu.dma_semaphore, #tpu.memory_space<semaphore_mem>> -> memref<!tpu.dma_semaphore, #tpu.memory_space<semaphore_mem>>
      %dma_start3A_823 = tpu.memref_slice %arg4[%add3A_811, %mul3A_813] : memref<409600x128xf32, #tpu.memory_space<hbm>> -> memref<128x64xf32, #tpu.memory_space<hbm>>
      %dma_start3A_824 = arith.constant 0 : i32
      %dma_start3A_825 = arith.constant 0 : i32
      %dma_start3A_826 = tpu.memref_slice %arg6[%dma_start3A_814, %dma_start3A_824, %dma_start3A_825] : memref<5x128x128xf32, #tpu.memory_space<vmem>> -> memref<1x128x64xf32, #tpu.memory_space<vmem>>
      %dma_start3A_827 = tpu.memref_squeeze %dma_start3A_826 : memref<1x128x64xf32, #tpu.memory_space<vmem>> -> memref<128x64xf32, #tpu.memory_space<vmem>>
      tpu.enqueue_dma source(%dma_start3A_827 : memref<128x64xf32, #tpu.memory_space<vmem>>) target(%dma_start3A_823 : memref<128x64xf32, #tpu.memory_space<hbm>>) target_semaphore(%dma_start3A_822 : memref<!tpu.dma_semaphore, #tpu.memory_space<semaphore_mem>>)
      %mul3A_828 = arith.constant 5 : i32
      %mul3A_829 = arith.muli %scan3A_714, %mul3A_828 : i32
      %add3A_830 = arith.constant 1 : i32
      %add3A_831 = arith.addi %mul3A_829, %add3A_830 : i32
      %dma_wait3A_832 = arith.constant 1 : i32
      %dma_wait3A_833 = arith.constant 1 : i32
      %dma_wait3A_834 = arith.constant 0 : i32
      %dma_wait3A_835 = arith.constant 0 : i32
      %dma_wait3A_836 = tpu.memref_slice %arg6[%dma_wait3A_832, %dma_wait3A_834, %dma_wait3A_835] : memref<5x128x128xf32, #tpu.memory_space<vmem>> -> memref<1x128x128xf32, #tpu.memory_space<vmem>>
      %dma_wait3A_837 = tpu.memref_squeeze %dma_wait3A_836 : memref<1x128x128xf32, #tpu.memory_space<vmem>> -> memref<128x128xf32, #tpu.memory_space<vmem>>
      %dma_wait3A_838 = arith.constant 0 : i32
      %dma_wait3A_839 = tpu.memref_slice %arg5[%add3A_831, %dma_wait3A_838] : memref<200x128xi32, #tpu.memory_space<vmem>> -> memref<1x128xi32, #tpu.memory_space<vmem>>
      %dma_wait3A_840 = tpu.memref_squeeze %dma_wait3A_839 : memref<1x128xi32, #tpu.memory_space<vmem>> -> memref<128xi32, #tpu.memory_space<vmem>>
      %dma_wait3A_841 = arith.constant 0 : i32
      %dma_wait3A_842 = arith.constant 0 : i32
      %dma_wait3A_843 = tpu.memref_slice %arg3[%dma_wait3A_841, %dma_wait3A_842] : memref<1000000x128xf32, #tpu.memory_space<hbm>> -> memref<1000000x128xf32, #tpu.memory_space<hbm>>
      %dma_wait3A_844 = tpu.memref_slice %arg7[%dma_wait3A_833] : memref<5x!tpu.dma_semaphore, #tpu.memory_space<semaphore_mem>> -> memref<1x!tpu.dma_semaphore, #tpu.memory_space<semaphore_mem>>
      %dma_wait3A_845 = tpu.memref_squeeze %dma_wait3A_844 : memref<1x!tpu.dma_semaphore, #tpu.memory_space<semaphore_mem>> -> memref<!tpu.dma_semaphore, #tpu.memory_space<semaphore_mem>>
      tpu.wait_indirect_dma semaphore(%dma_wait3A_845 : memref<!tpu.dma_semaphore, #tpu.memory_space<semaphore_mem>>) src(%dma_wait3A_843 : memref<1000000x128xf32, #tpu.memory_space<hbm>>) dst(%dma_wait3A_837 : memref<128x128xf32, #tpu.memory_space<vmem>>)
      %add3A_846 = arith.addi %mul3A_2, %add3A_831 : i32
      %shift_right_arithmetic3A_847 = arith.constant 7 : i32
      %shift_right_arithmetic3A_848 = arith.shrsi %add3A_846, %shift_right_arithmetic3A_847 : i32
      %shift_left3A_849 = arith.constant 7 : i32
      %shift_left3A_850 = arith.shli %add3A_846, %shift_left3A_849 : i32
      %and3A_851 = arith.constant 16383 : i32
      %and3A_852 = arith.andi %shift_left3A_850, %and3A_851 : i32
      %jit3A_853 = arith.constant 16384 : i32
      %div3A_854 = arith.divsi %and3A_852, %jit3A_853 : i32
      %sign3A_855 = arith.constant 0 : i32
      %sign3A_856 = arith.cmpi sgt, %and3A_852, %sign3A_855 : i32
      %sign3A_857 = arith.extui %sign3A_856 : i1 to i32
      %sign3A_858 = arith.constant 0 : i32
      %sign3A_859 = arith.cmpi slt, %and3A_852, %sign3A_858 : i32
      %sign3A_860 = arith.extui %sign3A_859 : i1 to i32
      %sign3A_861 = arith.subi %sign3A_857, %sign3A_860 : i32
      %sign3A_862 = arith.constant 0 : i32
      %sign3A_863 = arith.cmpi sgt, %jit3A_853, %sign3A_862 : i32
      %sign3A_864 = arith.extui %sign3A_863 : i1 to i32
      %sign3A_865 = arith.constant 0 : i32
      %sign3A_866 = arith.cmpi slt, %jit3A_853, %sign3A_865 : i32
      %sign3A_867 = arith.extui %sign3A_866 : i1 to i32
      %sign3A_868 = arith.subi %sign3A_864, %sign3A_867 : i32
      %ne3A_869 = arith.cmpi ne, %sign3A_861, %sign3A_868 : i32
      %rem3A_870 = arith.remsi %and3A_852, %jit3A_853 : i32
      %ne3A_871 = arith.constant 0 : i32
      %ne3A_872 = arith.cmpi ne, %rem3A_870, %ne3A_871 : i32
      %and3A_873 = arith.andi %ne3A_869, %ne3A_872 : i1
      %sub3A_874 = arith.constant 1 : i32
      %sub3A_875 = arith.subi %div3A_854, %sub3A_874 : i32
      %select_n3A_876 = arith.select %and3A_873, %sub3A_875, %div3A_854 : i32
      %jit3A_877 = arith.constant 8192 : i32
      %eq3A_878 = arith.constant 0 : i32
      %eq3A_879 = arith.cmpi eq, %jit3A_877, %eq3A_878 : i32
      %jit3A_880 = arith.constant 1 : i32
      %select_n3A_881 = arith.select %eq3A_879, %jit3A_880, %jit3A_877 : i32
      %rem3A_882 = arith.remsi %and3A_852, %select_n3A_881 : i32
      %ne3A_883 = arith.constant 0 : i32
      %ne3A_884 = arith.cmpi ne, %rem3A_882, %ne3A_883 : i32
      %lt3A_885 = arith.constant 0 : i32
      %lt3A_886 = arith.cmpi slt, %rem3A_882, %lt3A_885 : i32
      %lt3A_887 = arith.constant 0 : i32
      %lt3A_888 = arith.cmpi slt, %select_n3A_881, %lt3A_887 : i32
      %ne3A_889 = arith.xori %lt3A_886, %lt3A_888 : i1
      %and3A_890 = arith.andi %ne3A_889, %ne3A_884 : i1
      %add3A_891 = arith.addi %rem3A_882, %select_n3A_881 : i32
      %select_n3A_892 = arith.select %and3A_890, %add3A_891, %rem3A_882 : i32
      %jit3A_893 = arith.constant 8192 : i32
      %div3A_894 = arith.divsi %and3A_852, %jit3A_893 : i32
      %sign3A_895 = arith.constant 0 : i32
      %sign3A_896 = arith.cmpi sgt, %and3A_852, %sign3A_895 : i32
      %sign3A_897 = arith.extui %sign3A_896 : i1 to i32
      %sign3A_898 = arith.constant 0 : i32
      %sign3A_899 = arith.cmpi slt, %and3A_852, %sign3A_898 : i32
      %sign3A_900 = arith.extui %sign3A_899 : i1 to i32
      %sign3A_901 = arith.subi %sign3A_897, %sign3A_900 : i32
      %sign3A_902 = arith.constant 0 : i32
      %sign3A_903 = arith.cmpi sgt, %jit3A_893, %sign3A_902 : i32
      %sign3A_904 = arith.extui %sign3A_903 : i1 to i32
      %sign3A_905 = arith.constant 0 : i32
      %sign3A_906 = arith.cmpi slt, %jit3A_893, %sign3A_905 : i32
      %sign3A_907 = arith.extui %sign3A_906 : i1 to i32
      %sign3A_908 = arith.subi %sign3A_904, %sign3A_907 : i32
      %ne3A_909 = arith.cmpi ne, %sign3A_901, %sign3A_908 : i32
      %rem3A_910 = arith.remsi %and3A_852, %jit3A_893 : i32
      %ne3A_911 = arith.constant 0 : i32
      %ne3A_912 = arith.cmpi ne, %rem3A_910, %ne3A_911 : i32
      %and3A_913 = arith.andi %ne3A_909, %ne3A_912 : i1
      %sub3A_914 = arith.constant 1 : i32
      %sub3A_915 = arith.subi %div3A_894, %sub3A_914 : i32
      %select_n3A_916 = arith.select %and3A_913, %sub3A_915, %div3A_894 : i32
      %and3A_917 = arith.constant 1 : i32
      %and3A_918 = arith.andi %select_n3A_916, %and3A_917 : i32
      %mul3A_919 = arith.constant 8192 : i32
      %mul3A_920 = arith.muli %shift_right_arithmetic3A_848, %mul3A_919 : i32
      %mul3A_921 = arith.constant 8192 : i32
      %mul3A_922 = arith.muli %select_n3A_876, %mul3A_921 : i32
      %add3A_923 = arith.addi %mul3A_920, %mul3A_922 : i32
      %add3A_924 = arith.addi %add3A_923, %select_n3A_892 : i32
      %mul3A_925 = arith.constant 64 : i32
      %mul3A_926 = arith.muli %and3A_918, %mul3A_925 : i32
      %dma_start3A_927 = arith.constant 1 : i32
      %dma_start3A_928 = arith.constant 1 : i32
      %dma_start3A_929 = arith.constant 0 : i32
      %dma_start3A_930 = arith.constant 0 : i32
      %dma_start3A_931 = tpu.memref_slice %arg6[%dma_start3A_927, %dma_start3A_929, %dma_start3A_930] : memref<5x128x128xf32, #tpu.memory_space<vmem>> -> memref<1x128x64xf32, #tpu.memory_space<vmem>>
      %dma_start3A_932 = tpu.memref_squeeze %dma_start3A_931 : memref<1x128x64xf32, #tpu.memory_space<vmem>> -> memref<128x64xf32, #tpu.memory_space<vmem>>
      %dma_start3A_933 = tpu.memref_slice %arg4[%add3A_924, %mul3A_926] : memref<409600x128xf32, #tpu.memory_space<hbm>> -> memref<128x64xf32, #tpu.memory_space<hbm>>
      %dma_start3A_934 = tpu.memref_slice %arg8[%dma_start3A_928] : memref<5x!tpu.dma_semaphore, #tpu.memory_space<semaphore_mem>> -> memref<1x!tpu.dma_semaphore, #tpu.memory_space<semaphore_mem>>
      %dma_start3A_935 = tpu.memref_squeeze %dma_start3A_934 : memref<1x!tpu.dma_semaphore, #tpu.memory_space<semaphore_mem>> -> memref<!tpu.dma_semaphore, #tpu.memory_space<semaphore_mem>>
      %dma_start3A_936 = tpu.memref_slice %arg4[%add3A_924, %mul3A_926] : memref<409600x128xf32, #tpu.memory_space<hbm>> -> memref<128x64xf32, #tpu.memory_space<hbm>>
      %dma_start3A_937 = arith.constant 0 : i32
      %dma_start3A_938 = arith.constant 0 : i32
      %dma_start3A_939 = tpu.memref_slice %arg6[%dma_start3A_927, %dma_start3A_937, %dma_start3A_938] : memref<5x128x128xf32, #tpu.memory_space<vmem>> -> memref<1x128x64xf32, #tpu.memory_space<vmem>>
      %dma_start3A_940 = tpu.memref_squeeze %dma_start3A_939 : memref<1x128x64xf32, #tpu.memory_space<vmem>> -> memref<128x64xf32, #tpu.memory_space<vmem>>
      tpu.enqueue_dma source(%dma_start3A_940 : memref<128x64xf32, #tpu.memory_space<vmem>>) target(%dma_start3A_936 : memref<128x64xf32, #tpu.memory_space<hbm>>) target_semaphore(%dma_start3A_935 : memref<!tpu.dma_semaphore, #tpu.memory_space<semaphore_mem>>)
      %mul3A_941 = arith.constant 5 : i32
      %mul3A_942 = arith.muli %scan3A_714, %mul3A_941 : i32
      %add3A_943 = arith.constant 2 : i32
      %add3A_944 = arith.addi %mul3A_942, %add3A_943 : i32
      %dma_wait3A_945 = arith.constant 2 : i32
      %dma_wait3A_946 = arith.constant 2 : i32
      %dma_wait3A_947 = arith.constant 0 : i32
      %dma_wait3A_948 = arith.constant 0 : i32
      %dma_wait3A_949 = tpu.memref_slice %arg6[%dma_wait3A_945, %dma_wait3A_947, %dma_wait3A_948] : memref<5x128x128xf32, #tpu.memory_space<vmem>> -> memref<1x128x128xf32, #tpu.memory_space<vmem>>
      %dma_wait3A_950 = tpu.memref_squeeze %dma_wait3A_949 : memref<1x128x128xf32, #tpu.memory_space<vmem>> -> memref<128x128xf32, #tpu.memory_space<vmem>>
      %dma_wait3A_951 = arith.constant 0 : i32
      %dma_wait3A_952 = tpu.memref_slice %arg5[%add3A_944, %dma_wait3A_951] : memref<200x128xi32, #tpu.memory_space<vmem>> -> memref<1x128xi32, #tpu.memory_space<vmem>>
      %dma_wait3A_953 = tpu.memref_squeeze %dma_wait3A_952 : memref<1x128xi32, #tpu.memory_space<vmem>> -> memref<128xi32, #tpu.memory_space<vmem>>
      %dma_wait3A_954 = arith.constant 0 : i32
      %dma_wait3A_955 = arith.constant 0 : i32
      %dma_wait3A_956 = tpu.memref_slice %arg3[%dma_wait3A_954, %dma_wait3A_955] : memref<1000000x128xf32, #tpu.memory_space<hbm>> -> memref<1000000x128xf32, #tpu.memory_space<hbm>>
      %dma_wait3A_957 = tpu.memref_slice %arg7[%dma_wait3A_946] : memref<5x!tpu.dma_semaphore, #tpu.memory_space<semaphore_mem>> -> memref<1x!tpu.dma_semaphore, #tpu.memory_space<semaphore_mem>>
      %dma_wait3A_958 = tpu.memref_squeeze %dma_wait3A_957 : memref<1x!tpu.dma_semaphore, #tpu.memory_space<semaphore_mem>> -> memref<!tpu.dma_semaphore, #tpu.memory_space<semaphore_mem>>
      tpu.wait_indirect_dma semaphore(%dma_wait3A_958 : memref<!tpu.dma_semaphore, #tpu.memory_space<semaphore_mem>>) src(%dma_wait3A_956 : memref<1000000x128xf32, #tpu.memory_space<hbm>>) dst(%dma_wait3A_950 : memref<128x128xf32, #tpu.memory_space<vmem>>)
      %add3A_959 = arith.addi %mul3A_2, %add3A_944 : i32
      %shift_right_arithmetic3A_960 = arith.constant 7 : i32
      %shift_right_arithmetic3A_961 = arith.shrsi %add3A_959, %shift_right_arithmetic3A_960 : i32
      %shift_left3A_962 = arith.constant 7 : i32
      %shift_left3A_963 = arith.shli %add3A_959, %shift_left3A_962 : i32
      %and3A_964 = arith.constant 16383 : i32
      %and3A_965 = arith.andi %shift_left3A_963, %and3A_964 : i32
      %jit3A_966 = arith.constant 16384 : i32
      %div3A_967 = arith.divsi %and3A_965, %jit3A_966 : i32
      %sign3A_968 = arith.constant 0 : i32
      %sign3A_969 = arith.cmpi sgt, %and3A_965, %sign3A_968 : i32
      %sign3A_970 = arith.extui %sign3A_969 : i1 to i32
      %sign3A_971 = arith.constant 0 : i32
      %sign3A_972 = arith.cmpi slt, %and3A_965, %sign3A_971 : i32
      %sign3A_973 = arith.extui %sign3A_972 : i1 to i32
      %sign3A_974 = arith.subi %sign3A_970, %sign3A_973 : i32
      %sign3A_975 = arith.constant 0 : i32
      %sign3A_976 = arith.cmpi sgt, %jit3A_966, %sign3A_975 : i32
      %sign3A_977 = arith.extui %sign3A_976 : i1 to i32
      %sign3A_978 = arith.constant 0 : i32
      %sign3A_979 = arith.cmpi slt, %jit3A_966, %sign3A_978 : i32
      %sign3A_980 = arith.extui %sign3A_979 : i1 to i32
      %sign3A_981 = arith.subi %sign3A_977, %sign3A_980 : i32
      %ne3A_982 = arith.cmpi ne, %sign3A_974, %sign3A_981 : i32
      %rem3A_983 = arith.remsi %and3A_965, %jit3A_966 : i32
      %ne3A_984 = arith.constant 0 : i32
      %ne3A_985 = arith.cmpi ne, %rem3A_983, %ne3A_984 : i32
      %and3A_986 = arith.andi %ne3A_982, %ne3A_985 : i1
      %sub3A_987 = arith.constant 1 : i32
      %sub3A_988 = arith.subi %div3A_967, %sub3A_987 : i32
      %select_n3A_989 = arith.select %and3A_986, %sub3A_988, %div3A_967 : i32
      %jit3A_990 = arith.constant 8192 : i32
      %eq3A_991 = arith.constant 0 : i32
      %eq3A_992 = arith.cmpi eq, %jit3A_990, %eq3A_991 : i32
      %jit3A_993 = arith.constant 1 : i32
      %select_n3A_994 = arith.select %eq3A_992, %jit3A_993, %jit3A_990 : i32
      %rem3A_995 = arith.remsi %and3A_965, %select_n3A_994 : i32
      %ne3A_996 = arith.constant 0 : i32
      %ne3A_997 = arith.cmpi ne, %rem3A_995, %ne3A_996 : i32
      %lt3A_998 = arith.constant 0 : i32
      %lt3A_999 = arith.cmpi slt, %rem3A_995, %lt3A_998 : i32
      %lt3A_1000 = arith.constant 0 : i32
      %lt3A_1001 = arith.cmpi slt, %select_n3A_994, %lt3A_1000 : i32
      %ne3A_1002 = arith.xori %lt3A_999, %lt3A_1001 : i1
      %and3A_1003 = arith.andi %ne3A_1002, %ne3A_997 : i1
      %add3A_1004 = arith.addi %rem3A_995, %select_n3A_994 : i32
      %select_n3A_1005 = arith.select %and3A_1003, %add3A_1004, %rem3A_995 : i32
      %jit3A_1006 = arith.constant 8192 : i32
      %div3A_1007 = arith.divsi %and3A_965, %jit3A_1006 : i32
      %sign3A_1008 = arith.constant 0 : i32
      %sign3A_1009 = arith.cmpi sgt, %and3A_965, %sign3A_1008 : i32
      %sign3A_1010 = arith.extui %sign3A_1009 : i1 to i32
      %sign3A_1011 = arith.constant 0 : i32
      %sign3A_1012 = arith.cmpi slt, %and3A_965, %sign3A_1011 : i32
      %sign3A_1013 = arith.extui %sign3A_1012 : i1 to i32
      %sign3A_1014 = arith.subi %sign3A_1010, %sign3A_1013 : i32
      %sign3A_1015 = arith.constant 0 : i32
      %sign3A_1016 = arith.cmpi sgt, %jit3A_1006, %sign3A_1015 : i32
      %sign3A_1017 = arith.extui %sign3A_1016 : i1 to i32
      %sign3A_1018 = arith.constant 0 : i32
      %sign3A_1019 = arith.cmpi slt, %jit3A_1006, %sign3A_1018 : i32
      %sign3A_1020 = arith.extui %sign3A_1019 : i1 to i32
      %sign3A_1021 = arith.subi %sign3A_1017, %sign3A_1020 : i32
      %ne3A_1022 = arith.cmpi ne, %sign3A_1014, %sign3A_1021 : i32
      %rem3A_1023 = arith.remsi %and3A_965, %jit3A_1006 : i32
      %ne3A_1024 = arith.constant 0 : i32
      %ne3A_1025 = arith.cmpi ne, %rem3A_1023, %ne3A_1024 : i32
      %and3A_1026 = arith.andi %ne3A_1022, %ne3A_1025 : i1
      %sub3A_1027 = arith.constant 1 : i32
      %sub3A_1028 = arith.subi %div3A_1007, %sub3A_1027 : i32
      %select_n3A_1029 = arith.select %and3A_1026, %sub3A_1028, %div3A_1007 : i32
      %and3A_1030 = arith.constant 1 : i32
      %and3A_1031 = arith.andi %select_n3A_1029, %and3A_1030 : i32
      %mul3A_1032 = arith.constant 8192 : i32
      %mul3A_1033 = arith.muli %shift_right_arithmetic3A_961, %mul3A_1032 : i32
      %mul3A_1034 = arith.constant 8192 : i32
      %mul3A_1035 = arith.muli %select_n3A_989, %mul3A_1034 : i32
      %add3A_1036 = arith.addi %mul3A_1033, %mul3A_1035 : i32
      %add3A_1037 = arith.addi %add3A_1036, %select_n3A_1005 : i32
      %mul3A_1038 = arith.constant 64 : i32
      %mul3A_1039 = arith.muli %and3A_1031, %mul3A_1038 : i32
      %dma_start3A_1040 = arith.constant 2 : i32
      %dma_start3A_1041 = arith.constant 2 : i32
      %dma_start3A_1042 = arith.constant 0 : i32
      %dma_start3A_1043 = arith.constant 0 : i32
      %dma_start3A_1044 = tpu.memref_slice %arg6[%dma_start3A_1040, %dma_start3A_1042, %dma_start3A_1043] : memref<5x128x128xf32, #tpu.memory_space<vmem>> -> memref<1x128x64xf32, #tpu.memory_space<vmem>>
      %dma_start3A_1045 = tpu.memref_squeeze %dma_start3A_1044 : memref<1x128x64xf32, #tpu.memory_space<vmem>> -> memref<128x64xf32, #tpu.memory_space<vmem>>
      %dma_start3A_1046 = tpu.memref_slice %arg4[%add3A_1037, %mul3A_1039] : memref<409600x128xf32, #tpu.memory_space<hbm>> -> memref<128x64xf32, #tpu.memory_space<hbm>>
      %dma_start3A_1047 = tpu.memref_slice %arg8[%dma_start3A_1041] : memref<5x!tpu.dma_semaphore, #tpu.memory_space<semaphore_mem>> -> memref<1x!tpu.dma_semaphore, #tpu.memory_space<semaphore_mem>>
      %dma_start3A_1048 = tpu.memref_squeeze %dma_start3A_1047 : memref<1x!tpu.dma_semaphore, #tpu.memory_space<semaphore_mem>> -> memref<!tpu.dma_semaphore, #tpu.memory_space<semaphore_mem>>
      %dma_start3A_1049 = tpu.memref_slice %arg4[%add3A_1037, %mul3A_1039] : memref<409600x128xf32, #tpu.memory_space<hbm>> -> memref<128x64xf32, #tpu.memory_space<hbm>>
      %dma_start3A_1050 = arith.constant 0 : i32
      %dma_start3A_1051 = arith.constant 0 : i32
      %dma_start3A_1052 = tpu.memref_slice %arg6[%dma_start3A_1040, %dma_start3A_1050, %dma_start3A_1051] : memref<5x128x128xf32, #tpu.memory_space<vmem>> -> memref<1x128x64xf32, #tpu.memory_space<vmem>>
      %dma_start3A_1053 = tpu.memref_squeeze %dma_start3A_1052 : memref<1x128x64xf32, #tpu.memory_space<vmem>> -> memref<128x64xf32, #tpu.memory_space<vmem>>
      tpu.enqueue_dma source(%dma_start3A_1053 : memref<128x64xf32, #tpu.memory_space<vmem>>) target(%dma_start3A_1049 : memref<128x64xf32, #tpu.memory_space<hbm>>) target_semaphore(%dma_start3A_1048 : memref<!tpu.dma_semaphore, #tpu.memory_space<semaphore_mem>>)
      %mul3A_1054 = arith.constant 5 : i32
      %mul3A_1055 = arith.muli %scan3A_714, %mul3A_1054 : i32
      %add3A_1056 = arith.constant 3 : i32
      %add3A_1057 = arith.addi %mul3A_1055, %add3A_1056 : i32
      %dma_wait3A_1058 = arith.constant 3 : i32
      %dma_wait3A_1059 = arith.constant 3 : i32
      %dma_wait3A_1060 = arith.constant 0 : i32
      %dma_wait3A_1061 = arith.constant 0 : i32
      %dma_wait3A_1062 = tpu.memref_slice %arg6[%dma_wait3A_1058, %dma_wait3A_1060, %dma_wait3A_1061] : memref<5x128x128xf32, #tpu.memory_space<vmem>> -> memref<1x128x128xf32, #tpu.memory_space<vmem>>
      %dma_wait3A_1063 = tpu.memref_squeeze %dma_wait3A_1062 : memref<1x128x128xf32, #tpu.memory_space<vmem>> -> memref<128x128xf32, #tpu.memory_space<vmem>>
      %dma_wait3A_1064 = arith.constant 0 : i32
      %dma_wait3A_1065 = tpu.memref_slice %arg5[%add3A_1057, %dma_wait3A_1064] : memref<200x128xi32, #tpu.memory_space<vmem>> -> memref<1x128xi32, #tpu.memory_space<vmem>>
      %dma_wait3A_1066 = tpu.memref_squeeze %dma_wait3A_1065 : memref<1x128xi32, #tpu.memory_space<vmem>> -> memref<128xi32, #tpu.memory_space<vmem>>
      %dma_wait3A_1067 = arith.constant 0 : i32
      %dma_wait3A_1068 = arith.constant 0 : i32
      %dma_wait3A_1069 = tpu.memref_slice %arg3[%dma_wait3A_1067, %dma_wait3A_1068] : memref<1000000x128xf32, #tpu.memory_space<hbm>> -> memref<1000000x128xf32, #tpu.memory_space<hbm>>
      %dma_wait3A_1070 = tpu.memref_slice %arg7[%dma_wait3A_1059] : memref<5x!tpu.dma_semaphore, #tpu.memory_space<semaphore_mem>> -> memref<1x!tpu.dma_semaphore, #tpu.memory_space<semaphore_mem>>
      %dma_wait3A_1071 = tpu.memref_squeeze %dma_wait3A_1070 : memref<1x!tpu.dma_semaphore, #tpu.memory_space<semaphore_mem>> -> memref<!tpu.dma_semaphore, #tpu.memory_space<semaphore_mem>>
      tpu.wait_indirect_dma semaphore(%dma_wait3A_1071 : memref<!tpu.dma_semaphore, #tpu.memory_space<semaphore_mem>>) src(%dma_wait3A_1069 : memref<1000000x128xf32, #tpu.memory_space<hbm>>) dst(%dma_wait3A_1063 : memref<128x128xf32, #tpu.memory_space<vmem>>)
      %add3A_1072 = arith.addi %mul3A_2, %add3A_1057 : i32
      %shift_right_arithmetic3A_1073 = arith.constant 7 : i32
      %shift_right_arithmetic3A_1074 = arith.shrsi %add3A_1072, %shift_right_arithmetic3A_1073 : i32
      %shift_left3A_1075 = arith.constant 7 : i32
      %shift_left3A_1076 = arith.shli %add3A_1072, %shift_left3A_1075 : i32
      %and3A_1077 = arith.constant 16383 : i32
      %and3A_1078 = arith.andi %shift_left3A_1076, %and3A_1077 : i32
      %jit3A_1079 = arith.constant 16384 : i32
      %div3A_1080 = arith.divsi %and3A_1078, %jit3A_1079 : i32
      %sign3A_1081 = arith.constant 0 : i32
      %sign3A_1082 = arith.cmpi sgt, %and3A_1078, %sign3A_1081 : i32
      %sign3A_1083 = arith.extui %sign3A_1082 : i1 to i32
      %sign3A_1084 = arith.constant 0 : i32
      %sign3A_1085 = arith.cmpi slt, %and3A_1078, %sign3A_1084 : i32
      %sign3A_1086 = arith.extui %sign3A_1085 : i1 to i32
      %sign3A_1087 = arith.subi %sign3A_1083, %sign3A_1086 : i32
      %sign3A_1088 = arith.constant 0 : i32
      %sign3A_1089 = arith.cmpi sgt, %jit3A_1079, %sign3A_1088 : i32
      %sign3A_1090 = arith.extui %sign3A_1089 : i1 to i32
      %sign3A_1091 = arith.constant 0 : i32
      %sign3A_1092 = arith.cmpi slt, %jit3A_1079, %sign3A_1091 : i32
      %sign3A_1093 = arith.extui %sign3A_1092 : i1 to i32
      %sign3A_1094 = arith.subi %sign3A_1090, %sign3A_1093 : i32
      %ne3A_1095 = arith.cmpi ne, %sign3A_1087, %sign3A_1094 : i32
      %rem3A_1096 = arith.remsi %and3A_1078, %jit3A_1079 : i32
      %ne3A_1097 = arith.constant 0 : i32
      %ne3A_1098 = arith.cmpi ne, %rem3A_1096, %ne3A_1097 : i32
      %and3A_1099 = arith.andi %ne3A_1095, %ne3A_1098 : i1
      %sub3A_1100 = arith.constant 1 : i32
      %sub3A_1101 = arith.subi %div3A_1080, %sub3A_1100 : i32
      %select_n3A_1102 = arith.select %and3A_1099, %sub3A_1101, %div3A_1080 : i32
      %jit3A_1103 = arith.constant 8192 : i32
      %eq3A_1104 = arith.constant 0 : i32
      %eq3A_1105 = arith.cmpi eq, %jit3A_1103, %eq3A_1104 : i32
      %jit3A_1106 = arith.constant 1 : i32
      %select_n3A_1107 = arith.select %eq3A_1105, %jit3A_1106, %jit3A_1103 : i32
      %rem3A_1108 = arith.remsi %and3A_1078, %select_n3A_1107 : i32
      %ne3A_1109 = arith.constant 0 : i32
      %ne3A_1110 = arith.cmpi ne, %rem3A_1108, %ne3A_1109 : i32
      %lt3A_1111 = arith.constant 0 : i32
      %lt3A_1112 = arith.cmpi slt, %rem3A_1108, %lt3A_1111 : i32
      %lt3A_1113 = arith.constant 0 : i32
      %lt3A_1114 = arith.cmpi slt, %select_n3A_1107, %lt3A_1113 : i32
      %ne3A_1115 = arith.xori %lt3A_1112, %lt3A_1114 : i1
      %and3A_1116 = arith.andi %ne3A_1115, %ne3A_1110 : i1
      %add3A_1117 = arith.addi %rem3A_1108, %select_n3A_1107 : i32
      %select_n3A_1118 = arith.select %and3A_1116, %add3A_1117, %rem3A_1108 : i32
      %jit3A_1119 = arith.constant 8192 : i32
      %div3A_1120 = arith.divsi %and3A_1078, %jit3A_1119 : i32
      %sign3A_1121 = arith.constant 0 : i32
      %sign3A_1122 = arith.cmpi sgt, %and3A_1078, %sign3A_1121 : i32
      %sign3A_1123 = arith.extui %sign3A_1122 : i1 to i32
      %sign3A_1124 = arith.constant 0 : i32
      %sign3A_1125 = arith.cmpi slt, %and3A_1078, %sign3A_1124 : i32
      %sign3A_1126 = arith.extui %sign3A_1125 : i1 to i32
      %sign3A_1127 = arith.subi %sign3A_1123, %sign3A_1126 : i32
      %sign3A_1128 = arith.constant 0 : i32
      %sign3A_1129 = arith.cmpi sgt, %jit3A_1119, %sign3A_1128 : i32
      %sign3A_1130 = arith.extui %sign3A_1129 : i1 to i32
      %sign3A_1131 = arith.constant 0 : i32
      %sign3A_1132 = arith.cmpi slt, %jit3A_1119, %sign3A_1131 : i32
      %sign3A_1133 = arith.extui %sign3A_1132 : i1 to i32
      %sign3A_1134 = arith.subi %sign3A_1130, %sign3A_1133 : i32
      %ne3A_1135 = arith.cmpi ne, %sign3A_1127, %sign3A_1134 : i32
      %rem3A_1136 = arith.remsi %and3A_1078, %jit3A_1119 : i32
      %ne3A_1137 = arith.constant 0 : i32
      %ne3A_1138 = arith.cmpi ne, %rem3A_1136, %ne3A_1137 : i32
      %and3A_1139 = arith.andi %ne3A_1135, %ne3A_1138 : i1
      %sub3A_1140 = arith.constant 1 : i32
      %sub3A_1141 = arith.subi %div3A_1120, %sub3A_1140 : i32
      %select_n3A_1142 = arith.select %and3A_1139, %sub3A_1141, %div3A_1120 : i32
      %and3A_1143 = arith.constant 1 : i32
      %and3A_1144 = arith.andi %select_n3A_1142, %and3A_1143 : i32
      %mul3A_1145 = arith.constant 8192 : i32
      %mul3A_1146 = arith.muli %shift_right_arithmetic3A_1074, %mul3A_1145 : i32
      %mul3A_1147 = arith.constant 8192 : i32
      %mul3A_1148 = arith.muli %select_n3A_1102, %mul3A_1147 : i32
      %add3A_1149 = arith.addi %mul3A_1146, %mul3A_1148 : i32
      %add3A_1150 = arith.addi %add3A_1149, %select_n3A_1118 : i32
      %mul3A_1151 = arith.constant 64 : i32
      %mul3A_1152 = arith.muli %and3A_1144, %mul3A_1151 : i32
      %dma_start3A_1153 = arith.constant 3 : i32
      %dma_start3A_1154 = arith.constant 3 : i32
      %dma_start3A_1155 = arith.constant 0 : i32
      %dma_start3A_1156 = arith.constant 0 : i32
      %dma_start3A_1157 = tpu.memref_slice %arg6[%dma_start3A_1153, %dma_start3A_1155, %dma_start3A_1156] : memref<5x128x128xf32, #tpu.memory_space<vmem>> -> memref<1x128x64xf32, #tpu.memory_space<vmem>>
      %dma_start3A_1158 = tpu.memref_squeeze %dma_start3A_1157 : memref<1x128x64xf32, #tpu.memory_space<vmem>> -> memref<128x64xf32, #tpu.memory_space<vmem>>
      %dma_start3A_1159 = tpu.memref_slice %arg4[%add3A_1150, %mul3A_1152] : memref<409600x128xf32, #tpu.memory_space<hbm>> -> memref<128x64xf32, #tpu.memory_space<hbm>>
      %dma_start3A_1160 = tpu.memref_slice %arg8[%dma_start3A_1154] : memref<5x!tpu.dma_semaphore, #tpu.memory_space<semaphore_mem>> -> memref<1x!tpu.dma_semaphore, #tpu.memory_space<semaphore_mem>>
      %dma_start3A_1161 = tpu.memref_squeeze %dma_start3A_1160 : memref<1x!tpu.dma_semaphore, #tpu.memory_space<semaphore_mem>> -> memref<!tpu.dma_semaphore, #tpu.memory_space<semaphore_mem>>
      %dma_start3A_1162 = tpu.memref_slice %arg4[%add3A_1150, %mul3A_1152] : memref<409600x128xf32, #tpu.memory_space<hbm>> -> memref<128x64xf32, #tpu.memory_space<hbm>>
      %dma_start3A_1163 = arith.constant 0 : i32
      %dma_start3A_1164 = arith.constant 0 : i32
      %dma_start3A_1165 = tpu.memref_slice %arg6[%dma_start3A_1153, %dma_start3A_1163, %dma_start3A_1164] : memref<5x128x128xf32, #tpu.memory_space<vmem>> -> memref<1x128x64xf32, #tpu.memory_space<vmem>>
      %dma_start3A_1166 = tpu.memref_squeeze %dma_start3A_1165 : memref<1x128x64xf32, #tpu.memory_space<vmem>> -> memref<128x64xf32, #tpu.memory_space<vmem>>
      tpu.enqueue_dma source(%dma_start3A_1166 : memref<128x64xf32, #tpu.memory_space<vmem>>) target(%dma_start3A_1162 : memref<128x64xf32, #tpu.memory_space<hbm>>) target_semaphore(%dma_start3A_1161 : memref<!tpu.dma_semaphore, #tpu.memory_space<semaphore_mem>>)
      %mul3A_1167 = arith.constant 5 : i32
      %mul3A_1168 = arith.muli %scan3A_714, %mul3A_1167 : i32
      %add3A_1169 = arith.constant 4 : i32
      %add3A_1170 = arith.addi %mul3A_1168, %add3A_1169 : i32
      %dma_wait3A_1171 = arith.constant 4 : i32
      %dma_wait3A_1172 = arith.constant 4 : i32
      %dma_wait3A_1173 = arith.constant 0 : i32
      %dma_wait3A_1174 = arith.constant 0 : i32
      %dma_wait3A_1175 = tpu.memref_slice %arg6[%dma_wait3A_1171, %dma_wait3A_1173, %dma_wait3A_1174] : memref<5x128x128xf32, #tpu.memory_space<vmem>> -> memref<1x128x128xf32, #tpu.memory_space<vmem>>
      %dma_wait3A_1176 = tpu.memref_squeeze %dma_wait3A_1175 : memref<1x128x128xf32, #tpu.memory_space<vmem>> -> memref<128x128xf32, #tpu.memory_space<vmem>>
      %dma_wait3A_1177 = arith.constant 0 : i32
      %dma_wait3A_1178 = tpu.memref_slice %arg5[%add3A_1170, %dma_wait3A_1177] : memref<200x128xi32, #tpu.memory_space<vmem>> -> memref<1x128xi32, #tpu.memory_space<vmem>>
      %dma_wait3A_1179 = tpu.memref_squeeze %dma_wait3A_1178 : memref<1x128xi32, #tpu.memory_space<vmem>> -> memref<128xi32, #tpu.memory_space<vmem>>
      %dma_wait3A_1180 = arith.constant 0 : i32
      %dma_wait3A_1181 = arith.constant 0 : i32
      %dma_wait3A_1182 = tpu.memref_slice %arg3[%dma_wait3A_1180, %dma_wait3A_1181] : memref<1000000x128xf32, #tpu.memory_space<hbm>> -> memref<1000000x128xf32, #tpu.memory_space<hbm>>
      %dma_wait3A_1183 = tpu.memref_slice %arg7[%dma_wait3A_1172] : memref<5x!tpu.dma_semaphore, #tpu.memory_space<semaphore_mem>> -> memref<1x!tpu.dma_semaphore, #tpu.memory_space<semaphore_mem>>
      %dma_wait3A_1184 = tpu.memref_squeeze %dma_wait3A_1183 : memref<1x!tpu.dma_semaphore, #tpu.memory_space<semaphore_mem>> -> memref<!tpu.dma_semaphore, #tpu.memory_space<semaphore_mem>>
      tpu.wait_indirect_dma semaphore(%dma_wait3A_1184 : memref<!tpu.dma_semaphore, #tpu.memory_space<semaphore_mem>>) src(%dma_wait3A_1182 : memref<1000000x128xf32, #tpu.memory_space<hbm>>) dst(%dma_wait3A_1176 : memref<128x128xf32, #tpu.memory_space<vmem>>)
      %add3A_1185 = arith.addi %mul3A_2, %add3A_1170 : i32
      %shift_right_arithmetic3A_1186 = arith.constant 7 : i32
      %shift_right_arithmetic3A_1187 = arith.shrsi %add3A_1185, %shift_right_arithmetic3A_1186 : i32
      %shift_left3A_1188 = arith.constant 7 : i32
      %shift_left3A_1189 = arith.shli %add3A_1185, %shift_left3A_1188 : i32
      %and3A_1190 = arith.constant 16383 : i32
      %and3A_1191 = arith.andi %shift_left3A_1189, %and3A_1190 : i32
      %jit3A_1192 = arith.constant 16384 : i32
      %div3A_1193 = arith.divsi %and3A_1191, %jit3A_1192 : i32
      %sign3A_1194 = arith.constant 0 : i32
      %sign3A_1195 = arith.cmpi sgt, %and3A_1191, %sign3A_1194 : i32
      %sign3A_1196 = arith.extui %sign3A_1195 : i1 to i32
      %sign3A_1197 = arith.constant 0 : i32
      %sign3A_1198 = arith.cmpi slt, %and3A_1191, %sign3A_1197 : i32
      %sign3A_1199 = arith.extui %sign3A_1198 : i1 to i32
      %sign3A_1200 = arith.subi %sign3A_1196, %sign3A_1199 : i32
      %sign3A_1201 = arith.constant 0 : i32
      %sign3A_1202 = arith.cmpi sgt, %jit3A_1192, %sign3A_1201 : i32
      %sign3A_1203 = arith.extui %sign3A_1202 : i1 to i32
      %sign3A_1204 = arith.constant 0 : i32
      %sign3A_1205 = arith.cmpi slt, %jit3A_1192, %sign3A_1204 : i32
      %sign3A_1206 = arith.extui %sign3A_1205 : i1 to i32
      %sign3A_1207 = arith.subi %sign3A_1203, %sign3A_1206 : i32
      %ne3A_1208 = arith.cmpi ne, %sign3A_1200, %sign3A_1207 : i32
      %rem3A_1209 = arith.remsi %and3A_1191, %jit3A_1192 : i32
      %ne3A_1210 = arith.constant 0 : i32
      %ne3A_1211 = arith.cmpi ne, %rem3A_1209, %ne3A_1210 : i32
      %and3A_1212 = arith.andi %ne3A_1208, %ne3A_1211 : i1
      %sub3A_1213 = arith.constant 1 : i32
      %sub3A_1214 = arith.subi %div3A_1193, %sub3A_1213 : i32
      %select_n3A_1215 = arith.select %and3A_1212, %sub3A_1214, %div3A_1193 : i32
      %jit3A_1216 = arith.constant 8192 : i32
      %eq3A_1217 = arith.constant 0 : i32
      %eq3A_1218 = arith.cmpi eq, %jit3A_1216, %eq3A_1217 : i32
      %jit3A_1219 = arith.constant 1 : i32
      %select_n3A_1220 = arith.select %eq3A_1218, %jit3A_1219, %jit3A_1216 : i32
      %rem3A_1221 = arith.remsi %and3A_1191, %select_n3A_1220 : i32
      %ne3A_1222 = arith.constant 0 : i32
      %ne3A_1223 = arith.cmpi ne, %rem3A_1221, %ne3A_1222 : i32
      %lt3A_1224 = arith.constant 0 : i32
      %lt3A_1225 = arith.cmpi slt, %rem3A_1221, %lt3A_1224 : i32
      %lt3A_1226 = arith.constant 0 : i32
      %lt3A_1227 = arith.cmpi slt, %select_n3A_1220, %lt3A_1226 : i32
      %ne3A_1228 = arith.xori %lt3A_1225, %lt3A_1227 : i1
      %and3A_1229 = arith.andi %ne3A_1228, %ne3A_1223 : i1
      %add3A_1230 = arith.addi %rem3A_1221, %select_n3A_1220 : i32
      %select_n3A_1231 = arith.select %and3A_1229, %add3A_1230, %rem3A_1221 : i32
      %jit3A_1232 = arith.constant 8192 : i32
      %div3A_1233 = arith.divsi %and3A_1191, %jit3A_1232 : i32
      %sign3A_1234 = arith.constant 0 : i32
      %sign3A_1235 = arith.cmpi sgt, %and3A_1191, %sign3A_1234 : i32
      %sign3A_1236 = arith.extui %sign3A_1235 : i1 to i32
      %sign3A_1237 = arith.constant 0 : i32
      %sign3A_1238 = arith.cmpi slt, %and3A_1191, %sign3A_1237 : i32
      %sign3A_1239 = arith.extui %sign3A_1238 : i1 to i32
      %sign3A_1240 = arith.subi %sign3A_1236, %sign3A_1239 : i32
      %sign3A_1241 = arith.constant 0 : i32
      %sign3A_1242 = arith.cmpi sgt, %jit3A_1232, %sign3A_1241 : i32
      %sign3A_1243 = arith.extui %sign3A_1242 : i1 to i32
      %sign3A_1244 = arith.constant 0 : i32
      %sign3A_1245 = arith.cmpi slt, %jit3A_1232, %sign3A_1244 : i32
      %sign3A_1246 = arith.extui %sign3A_1245 : i1 to i32
      %sign3A_1247 = arith.subi %sign3A_1243, %sign3A_1246 : i32
      %ne3A_1248 = arith.cmpi ne, %sign3A_1240, %sign3A_1247 : i32
      %rem3A_1249 = arith.remsi %and3A_1191, %jit3A_1232 : i32
      %ne3A_1250 = arith.constant 0 : i32
      %ne3A_1251 = arith.cmpi ne, %rem3A_1249, %ne3A_1250 : i32
      %and3A_1252 = arith.andi %ne3A_1248, %ne3A_1251 : i1
      %sub3A_1253 = arith.constant 1 : i32
      %sub3A_1254 = arith.subi %div3A_1233, %sub3A_1253 : i32
      %select_n3A_1255 = arith.select %and3A_1252, %sub3A_1254, %div3A_1233 : i32
      %and3A_1256 = arith.constant 1 : i32
      %and3A_1257 = arith.andi %select_n3A_1255, %and3A_1256 : i32
      %mul3A_1258 = arith.constant 8192 : i32
      %mul3A_1259 = arith.muli %shift_right_arithmetic3A_1187, %mul3A_1258 : i32
      %mul3A_1260 = arith.constant 8192 : i32
      %mul3A_1261 = arith.muli %select_n3A_1215, %mul3A_1260 : i32
      %add3A_1262 = arith.addi %mul3A_1259, %mul3A_1261 : i32
      %add3A_1263 = arith.addi %add3A_1262, %select_n3A_1231 : i32
      %mul3A_1264 = arith.constant 64 : i32
      %mul3A_1265 = arith.muli %and3A_1257, %mul3A_1264 : i32
      %dma_start3A_1266 = arith.constant 4 : i32
      %dma_start3A_1267 = arith.constant 4 : i32
      %dma_start3A_1268 = arith.constant 0 : i32
      %dma_start3A_1269 = arith.constant 0 : i32
      %dma_start3A_1270 = tpu.memref_slice %arg6[%dma_start3A_1266, %dma_start3A_1268, %dma_start3A_1269] : memref<5x128x128xf32, #tpu.memory_space<vmem>> -> memref<1x128x64xf32, #tpu.memory_space<vmem>>
      %dma_start3A_1271 = tpu.memref_squeeze %dma_start3A_1270 : memref<1x128x64xf32, #tpu.memory_space<vmem>> -> memref<128x64xf32, #tpu.memory_space<vmem>>
      %dma_start3A_1272 = tpu.memref_slice %arg4[%add3A_1263, %mul3A_1265] : memref<409600x128xf32, #tpu.memory_space<hbm>> -> memref<128x64xf32, #tpu.memory_space<hbm>>
      %dma_start3A_1273 = tpu.memref_slice %arg8[%dma_start3A_1267] : memref<5x!tpu.dma_semaphore, #tpu.memory_space<semaphore_mem>> -> memref<1x!tpu.dma_semaphore, #tpu.memory_space<semaphore_mem>>
      %dma_start3A_1274 = tpu.memref_squeeze %dma_start3A_1273 : memref<1x!tpu.dma_semaphore, #tpu.memory_space<semaphore_mem>> -> memref<!tpu.dma_semaphore, #tpu.memory_space<semaphore_mem>>
      %dma_start3A_1275 = tpu.memref_slice %arg4[%add3A_1263, %mul3A_1265] : memref<409600x128xf32, #tpu.memory_space<hbm>> -> memref<128x64xf32, #tpu.memory_space<hbm>>
      %dma_start3A_1276 = arith.constant 0 : i32
      %dma_start3A_1277 = arith.constant 0 : i32
      %dma_start3A_1278 = tpu.memref_slice %arg6[%dma_start3A_1266, %dma_start3A_1276, %dma_start3A_1277] : memref<5x128x128xf32, #tpu.memory_space<vmem>> -> memref<1x128x64xf32, #tpu.memory_space<vmem>>
      %dma_start3A_1279 = tpu.memref_squeeze %dma_start3A_1278 : memref<1x128x64xf32, #tpu.memory_space<vmem>> -> memref<128x64xf32, #tpu.memory_space<vmem>>
      tpu.enqueue_dma source(%dma_start3A_1279 : memref<128x64xf32, #tpu.memory_space<vmem>>) target(%dma_start3A_1275 : memref<128x64xf32, #tpu.memory_space<hbm>>) target_semaphore(%dma_start3A_1274 : memref<!tpu.dma_semaphore, #tpu.memory_space<semaphore_mem>>)
      %add3A_1280 = arith.constant 1 : i32
      %add3A_1281 = arith.addi %scan3A_714, %add3A_1280 : i32
      %mul3A_1282 = arith.constant 5 : i32
      %mul3A_1283 = arith.muli %add3A_1281, %mul3A_1282 : i32
      %add3A_1284 = arith.constant 0 : i32
      %add3A_1285 = arith.addi %mul3A_1283, %add3A_1284 : i32
      %dma_wait3A_1286 = arith.constant 0 : i32
      %dma_wait3A_1287 = arith.constant 0 : i32
      %dma_wait3A_1288 = arith.constant 0 : i32
      %dma_wait3A_1289 = arith.constant 0 : i32
      %dma_wait3A_1290 = tpu.memref_slice %arg6[%dma_wait3A_1286, %dma_wait3A_1288, %dma_wait3A_1289] : memref<5x128x128xf32, #tpu.memory_space<vmem>> -> memref<1x128x64xf32, #tpu.memory_space<vmem>>
      %dma_wait3A_1291 = tpu.memref_squeeze %dma_wait3A_1290 : memref<1x128x64xf32, #tpu.memory_space<vmem>> -> memref<128x64xf32, #tpu.memory_space<vmem>>
      %dma_wait3A_1292 = arith.constant 0 : i32
      %dma_wait3A_1293 = arith.constant 0 : i32
      %dma_wait3A_1294 = tpu.memref_slice %arg4[%dma_wait3A_1292, %dma_wait3A_1293] : memref<409600x128xf32, #tpu.memory_space<hbm>> -> memref<128x64xf32, #tpu.memory_space<hbm>>
      %dma_wait3A_1295 = tpu.memref_slice %arg8[%dma_wait3A_1287] : memref<5x!tpu.dma_semaphore, #tpu.memory_space<semaphore_mem>> -> memref<1x!tpu.dma_semaphore, #tpu.memory_space<semaphore_mem>>
      %dma_wait3A_1296 = tpu.memref_squeeze %dma_wait3A_1295 : memref<1x!tpu.dma_semaphore, #tpu.memory_space<semaphore_mem>> -> memref<!tpu.dma_semaphore, #tpu.memory_space<semaphore_mem>>
      %dma_wait3A_1297 = arith.constant 0 : i32
      %dma_wait3A_1298 = arith.constant 0 : i32
      %dma_wait3A_1299 = tpu.memref_slice %arg4[%dma_wait3A_1297, %dma_wait3A_1298] : memref<409600x128xf32, #tpu.memory_space<hbm>> -> memref<128x64xf32, #tpu.memory_space<hbm>>
      %dma_wait3A_1300 = arith.constant 0 : i32
      %dma_wait3A_1301 = arith.constant 0 : i32
      %dma_wait3A_1302 = tpu.memref_slice %arg6[%dma_wait3A_1286, %dma_wait3A_1300, %dma_wait3A_1301] : memref<5x128x128xf32, #tpu.memory_space<vmem>> -> memref<1x128x64xf32, #tpu.memory_space<vmem>>
      %dma_wait3A_1303 = tpu.memref_squeeze %dma_wait3A_1302 : memref<1x128x64xf32, #tpu.memory_space<vmem>> -> memref<128x64xf32, #tpu.memory_space<vmem>>
      tpu.wait_dma2 semaphore(%dma_wait3A_1296 : memref<!tpu.dma_semaphore, #tpu.memory_space<semaphore_mem>>) src(%dma_wait3A_1303 : memref<128x64xf32, #tpu.memory_space<vmem>>) dst(%dma_wait3A_1299 : memref<128x64xf32, #tpu.memory_space<hbm>>)
      %dma_start3A_1304 = arith.constant 0 : i32
      %dma_start3A_1305 = arith.constant 0 : i32
      %dma_start3A_1306 = arith.constant 0 : i32
      %dma_start3A_1307 = arith.constant 0 : i32
      %dma_start3A_1308 = tpu.memref_slice %arg6[%dma_start3A_1304, %dma_start3A_1306, %dma_start3A_1307] : memref<5x128x128xf32, #tpu.memory_space<vmem>> -> memref<1x128x128xf32, #tpu.memory_space<vmem>>
      %dma_start3A_1309 = tpu.memref_squeeze %dma_start3A_1308 : memref<1x128x128xf32, #tpu.memory_space<vmem>> -> memref<128x128xf32, #tpu.memory_space<vmem>>
      %dma_start3A_1310 = arith.constant 0 : i32
      %dma_start3A_1311 = tpu.memref_slice %arg5[%add3A_1285, %dma_start3A_1310] : memref<200x128xi32, #tpu.memory_space<vmem>> -> memref<1x128xi32, #tpu.memory_space<vmem>>
      %dma_start3A_1312 = tpu.memref_squeeze %dma_start3A_1311 : memref<1x128xi32, #tpu.memory_space<vmem>> -> memref<128xi32, #tpu.memory_space<vmem>>
      %dma_start3A_1313 = arith.constant 0 : i32
      %dma_start3A_1314 = arith.constant 0 : i32
      %dma_start3A_1315 = tpu.memref_slice %arg3[%dma_start3A_1313, %dma_start3A_1314] : memref<1000000x128xf32, #tpu.memory_space<hbm>> -> memref<1000000x128xf32, #tpu.memory_space<hbm>>
      %dma_start3A_1316 = tpu.memref_slice %arg7[%dma_start3A_1305] : memref<5x!tpu.dma_semaphore, #tpu.memory_space<semaphore_mem>> -> memref<1x!tpu.dma_semaphore, #tpu.memory_space<semaphore_mem>>
      %dma_start3A_1317 = tpu.memref_squeeze %dma_start3A_1316 : memref<1x!tpu.dma_semaphore, #tpu.memory_space<semaphore_mem>> -> memref<!tpu.dma_semaphore, #tpu.memory_space<semaphore_mem>>
      tpu.enqueue_indirect_dma source(%dma_start3A_1315 : memref<1000000x128xf32, #tpu.memory_space<hbm>>) target(%dma_start3A_1309 : memref<128x128xf32, #tpu.memory_space<vmem>>) offsets(%dma_start3A_1312 : memref<128xi32, #tpu.memory_space<vmem>>) semaphore(%dma_start3A_1317 : memref<!tpu.dma_semaphore, #tpu.memory_space<semaphore_mem>>)
      %add3A_1318 = arith.constant 1 : i32
      %add3A_1319 = arith.addi %scan3A_714, %add3A_1318 : i32
      %mul3A_1320 = arith.constant 5 : i32
      %mul3A_1321 = arith.muli %add3A_1319, %mul3A_1320 : i32
      %add3A_1322 = arith.constant 1 : i32
      %add3A_1323 = arith.addi %mul3A_1321, %add3A_1322 : i32
      %dma_wait3A_1324 = arith.constant 1 : i32
      %dma_wait3A_1325 = arith.constant 1 : i32
      %dma_wait3A_1326 = arith.constant 0 : i32
      %dma_wait3A_1327 = arith.constant 0 : i32
      %dma_wait3A_1328 = tpu.memref_slice %arg6[%dma_wait3A_1324, %dma_wait3A_1326, %dma_wait3A_1327] : memref<5x128x128xf32, #tpu.memory_space<vmem>> -> memref<1x128x64xf32, #tpu.memory_space<vmem>>
      %dma_wait3A_1329 = tpu.memref_squeeze %dma_wait3A_1328 : memref<1x128x64xf32, #tpu.memory_space<vmem>> -> memref<128x64xf32, #tpu.memory_space<vmem>>
      %dma_wait3A_1330 = arith.constant 0 : i32
      %dma_wait3A_1331 = arith.constant 0 : i32
      %dma_wait3A_1332 = tpu.memref_slice %arg4[%dma_wait3A_1330, %dma_wait3A_1331] : memref<409600x128xf32, #tpu.memory_space<hbm>> -> memref<128x64xf32, #tpu.memory_space<hbm>>
      %dma_wait3A_1333 = tpu.memref_slice %arg8[%dma_wait3A_1325] : memref<5x!tpu.dma_semaphore, #tpu.memory_space<semaphore_mem>> -> memref<1x!tpu.dma_semaphore, #tpu.memory_space<semaphore_mem>>
      %dma_wait3A_1334 = tpu.memref_squeeze %dma_wait3A_1333 : memref<1x!tpu.dma_semaphore, #tpu.memory_space<semaphore_mem>> -> memref<!tpu.dma_semaphore, #tpu.memory_space<semaphore_mem>>
      %dma_wait3A_1335 = arith.constant 0 : i32
      %dma_wait3A_1336 = arith.constant 0 : i32
      %dma_wait3A_1337 = tpu.memref_slice %arg4[%dma_wait3A_1335, %dma_wait3A_1336] : memref<409600x128xf32, #tpu.memory_space<hbm>> -> memref<128x64xf32, #tpu.memory_space<hbm>>
      %dma_wait3A_1338 = arith.constant 0 : i32
      %dma_wait3A_1339 = arith.constant 0 : i32
      %dma_wait3A_1340 = tpu.memref_slice %arg6[%dma_wait3A_1324, %dma_wait3A_1338, %dma_wait3A_1339] : memref<5x128x128xf32, #tpu.memory_space<vmem>> -> memref<1x128x64xf32, #tpu.memory_space<vmem>>
      %dma_wait3A_1341 = tpu.memref_squeeze %dma_wait3A_1340 : memref<1x128x64xf32, #tpu.memory_space<vmem>> -> memref<128x64xf32, #tpu.memory_space<vmem>>
      tpu.wait_dma2 semaphore(%dma_wait3A_1334 : memref<!tpu.dma_semaphore, #tpu.memory_space<semaphore_mem>>) src(%dma_wait3A_1341 : memref<128x64xf32, #tpu.memory_space<vmem>>) dst(%dma_wait3A_1337 : memref<128x64xf32, #tpu.memory_space<hbm>>)
      %dma_start3A_1342 = arith.constant 1 : i32
      %dma_start3A_1343 = arith.constant 1 : i32
      %dma_start3A_1344 = arith.constant 0 : i32
      %dma_start3A_1345 = arith.constant 0 : i32
      %dma_start3A_1346 = tpu.memref_slice %arg6[%dma_start3A_1342, %dma_start3A_1344, %dma_start3A_1345] : memref<5x128x128xf32, #tpu.memory_space<vmem>> -> memref<1x128x128xf32, #tpu.memory_space<vmem>>
      %dma_start3A_1347 = tpu.memref_squeeze %dma_start3A_1346 : memref<1x128x128xf32, #tpu.memory_space<vmem>> -> memref<128x128xf32, #tpu.memory_space<vmem>>
      %dma_start3A_1348 = arith.constant 0 : i32
      %dma_start3A_1349 = tpu.memref_slice %arg5[%add3A_1323, %dma_start3A_1348] : memref<200x128xi32, #tpu.memory_space<vmem>> -> memref<1x128xi32, #tpu.memory_space<vmem>>
      %dma_start3A_1350 = tpu.memref_squeeze %dma_start3A_1349 : memref<1x128xi32, #tpu.memory_space<vmem>> -> memref<128xi32, #tpu.memory_space<vmem>>
      %dma_start3A_1351 = arith.constant 0 : i32
      %dma_start3A_1352 = arith.constant 0 : i32
      %dma_start3A_1353 = tpu.memref_slice %arg3[%dma_start3A_1351, %dma_start3A_1352] : memref<1000000x128xf32, #tpu.memory_space<hbm>> -> memref<1000000x128xf32, #tpu.memory_space<hbm>>
      %dma_start3A_1354 = tpu.memref_slice %arg7[%dma_start3A_1343] : memref<5x!tpu.dma_semaphore, #tpu.memory_space<semaphore_mem>> -> memref<1x!tpu.dma_semaphore, #tpu.memory_space<semaphore_mem>>
      %dma_start3A_1355 = tpu.memref_squeeze %dma_start3A_1354 : memref<1x!tpu.dma_semaphore, #tpu.memory_space<semaphore_mem>> -> memref<!tpu.dma_semaphore, #tpu.memory_space<semaphore_mem>>
      tpu.enqueue_indirect_dma source(%dma_start3A_1353 : memref<1000000x128xf32, #tpu.memory_space<hbm>>) target(%dma_start3A_1347 : memref<128x128xf32, #tpu.memory_space<vmem>>) offsets(%dma_start3A_1350 : memref<128xi32, #tpu.memory_space<vmem>>) semaphore(%dma_start3A_1355 : memref<!tpu.dma_semaphore, #tpu.memory_space<semaphore_mem>>)
      %add3A_1356 = arith.constant 1 : i32
      %add3A_1357 = arith.addi %scan3A_714, %add3A_1356 : i32
      %mul3A_1358 = arith.constant 5 : i32
      %mul3A_1359 = arith.muli %add3A_1357, %mul3A_1358 : i32
      %add3A_1360 = arith.constant 2 : i32
      %add3A_1361 = arith.addi %mul3A_1359, %add3A_1360 : i32
      %dma_wait3A_1362 = arith.constant 2 : i32
      %dma_wait3A_1363 = arith.constant 2 : i32
      %dma_wait3A_1364 = arith.constant 0 : i32
      %dma_wait3A_1365 = arith.constant 0 : i32
      %dma_wait3A_1366 = tpu.memref_slice %arg6[%dma_wait3A_1362, %dma_wait3A_1364, %dma_wait3A_1365] : memref<5x128x128xf32, #tpu.memory_space<vmem>> -> memref<1x128x64xf32, #tpu.memory_space<vmem>>
      %dma_wait3A_1367 = tpu.memref_squeeze %dma_wait3A_1366 : memref<1x128x64xf32, #tpu.memory_space<vmem>> -> memref<128x64xf32, #tpu.memory_space<vmem>>
      %dma_wait3A_1368 = arith.constant 0 : i32
      %dma_wait3A_1369 = arith.constant 0 : i32
      %dma_wait3A_1370 = tpu.memref_slice %arg4[%dma_wait3A_1368, %dma_wait3A_1369] : memref<409600x128xf32, #tpu.memory_space<hbm>> -> memref<128x64xf32, #tpu.memory_space<hbm>>
      %dma_wait3A_1371 = tpu.memref_slice %arg8[%dma_wait3A_1363] : memref<5x!tpu.dma_semaphore, #tpu.memory_space<semaphore_mem>> -> memref<1x!tpu.dma_semaphore, #tpu.memory_space<semaphore_mem>>
      %dma_wait3A_1372 = tpu.memref_squeeze %dma_wait3A_1371 : memref<1x!tpu.dma_semaphore, #tpu.memory_space<semaphore_mem>> -> memref<!tpu.dma_semaphore, #tpu.memory_space<semaphore_mem>>
      %dma_wait3A_1373 = arith.constant 0 : i32
      %dma_wait3A_1374 = arith.constant 0 : i32
      %dma_wait3A_1375 = tpu.memref_slice %arg4[%dma_wait3A_1373, %dma_wait3A_1374] : memref<409600x128xf32, #tpu.memory_space<hbm>> -> memref<128x64xf32, #tpu.memory_space<hbm>>
      %dma_wait3A_1376 = arith.constant 0 : i32
      %dma_wait3A_1377 = arith.constant 0 : i32
      %dma_wait3A_1378 = tpu.memref_slice %arg6[%dma_wait3A_1362, %dma_wait3A_1376, %dma_wait3A_1377] : memref<5x128x128xf32, #tpu.memory_space<vmem>> -> memref<1x128x64xf32, #tpu.memory_space<vmem>>
      %dma_wait3A_1379 = tpu.memref_squeeze %dma_wait3A_1378 : memref<1x128x64xf32, #tpu.memory_space<vmem>> -> memref<128x64xf32, #tpu.memory_space<vmem>>
      tpu.wait_dma2 semaphore(%dma_wait3A_1372 : memref<!tpu.dma_semaphore, #tpu.memory_space<semaphore_mem>>) src(%dma_wait3A_1379 : memref<128x64xf32, #tpu.memory_space<vmem>>) dst(%dma_wait3A_1375 : memref<128x64xf32, #tpu.memory_space<hbm>>)
      %dma_start3A_1380 = arith.constant 2 : i32
      %dma_start3A_1381 = arith.constant 2 : i32
      %dma_start3A_1382 = arith.constant 0 : i32
      %dma_start3A_1383 = arith.constant 0 : i32
      %dma_start3A_1384 = tpu.memref_slice %arg6[%dma_start3A_1380, %dma_start3A_1382, %dma_start3A_1383] : memref<5x128x128xf32, #tpu.memory_space<vmem>> -> memref<1x128x128xf32, #tpu.memory_space<vmem>>
      %dma_start3A_1385 = tpu.memref_squeeze %dma_start3A_1384 : memref<1x128x128xf32, #tpu.memory_space<vmem>> -> memref<128x128xf32, #tpu.memory_space<vmem>>
      %dma_start3A_1386 = arith.constant 0 : i32
      %dma_start3A_1387 = tpu.memref_slice %arg5[%add3A_1361, %dma_start3A_1386] : memref<200x128xi32, #tpu.memory_space<vmem>> -> memref<1x128xi32, #tpu.memory_space<vmem>>
      %dma_start3A_1388 = tpu.memref_squeeze %dma_start3A_1387 : memref<1x128xi32, #tpu.memory_space<vmem>> -> memref<128xi32, #tpu.memory_space<vmem>>
      %dma_start3A_1389 = arith.constant 0 : i32
      %dma_start3A_1390 = arith.constant 0 : i32
      %dma_start3A_1391 = tpu.memref_slice %arg3[%dma_start3A_1389, %dma_start3A_1390] : memref<1000000x128xf32, #tpu.memory_space<hbm>> -> memref<1000000x128xf32, #tpu.memory_space<hbm>>
      %dma_start3A_1392 = tpu.memref_slice %arg7[%dma_start3A_1381] : memref<5x!tpu.dma_semaphore, #tpu.memory_space<semaphore_mem>> -> memref<1x!tpu.dma_semaphore, #tpu.memory_space<semaphore_mem>>
      %dma_start3A_1393 = tpu.memref_squeeze %dma_start3A_1392 : memref<1x!tpu.dma_semaphore, #tpu.memory_space<semaphore_mem>> -> memref<!tpu.dma_semaphore, #tpu.memory_space<semaphore_mem>>
      tpu.enqueue_indirect_dma source(%dma_start3A_1391 : memref<1000000x128xf32, #tpu.memory_space<hbm>>) target(%dma_start3A_1385 : memref<128x128xf32, #tpu.memory_space<vmem>>) offsets(%dma_start3A_1388 : memref<128xi32, #tpu.memory_space<vmem>>) semaphore(%dma_start3A_1393 : memref<!tpu.dma_semaphore, #tpu.memory_space<semaphore_mem>>)
      %add3A_1394 = arith.constant 1 : i32
      %add3A_1395 = arith.addi %scan3A_714, %add3A_1394 : i32
      %mul3A_1396 = arith.constant 5 : i32
      %mul3A_1397 = arith.muli %add3A_1395, %mul3A_1396 : i32
      %add3A_1398 = arith.constant 3 : i32
      %add3A_1399 = arith.addi %mul3A_1397, %add3A_1398 : i32
      %dma_wait3A_1400 = arith.constant 3 : i32
      %dma_wait3A_1401 = arith.constant 3 : i32
      %dma_wait3A_1402 = arith.constant 0 : i32
      %dma_wait3A_1403 = arith.constant 0 : i32
      %dma_wait3A_1404 = tpu.memref_slice %arg6[%dma_wait3A_1400, %dma_wait3A_1402, %dma_wait3A_1403] : memref<5x128x128xf32, #tpu.memory_space<vmem>> -> memref<1x128x64xf32, #tpu.memory_space<vmem>>
      %dma_wait3A_1405 = tpu.memref_squeeze %dma_wait3A_1404 : memref<1x128x64xf32, #tpu.memory_space<vmem>> -> memref<128x64xf32, #tpu.memory_space<vmem>>
      %dma_wait3A_1406 = arith.constant 0 : i32
      %dma_wait3A_1407 = arith.constant 0 : i32
      %dma_wait3A_1408 = tpu.memref_slice %arg4[%dma_wait3A_1406, %dma_wait3A_1407] : memref<409600x128xf32, #tpu.memory_space<hbm>> -> memref<128x64xf32, #tpu.memory_space<hbm>>
      %dma_wait3A_1409 = tpu.memref_slice %arg8[%dma_wait3A_1401] : memref<5x!tpu.dma_semaphore, #tpu.memory_space<semaphore_mem>> -> memref<1x!tpu.dma_semaphore, #tpu.memory_space<semaphore_mem>>
      %dma_wait3A_1410 = tpu.memref_squeeze %dma_wait3A_1409 : memref<1x!tpu.dma_semaphore, #tpu.memory_space<semaphore_mem>> -> memref<!tpu.dma_semaphore, #tpu.memory_space<semaphore_mem>>
      %dma_wait3A_1411 = arith.constant 0 : i32
      %dma_wait3A_1412 = arith.constant 0 : i32
      %dma_wait3A_1413 = tpu.memref_slice %arg4[%dma_wait3A_1411, %dma_wait3A_1412] : memref<409600x128xf32, #tpu.memory_space<hbm>> -> memref<128x64xf32, #tpu.memory_space<hbm>>
      %dma_wait3A_1414 = arith.constant 0 : i32
      %dma_wait3A_1415 = arith.constant 0 : i32
      %dma_wait3A_1416 = tpu.memref_slice %arg6[%dma_wait3A_1400, %dma_wait3A_1414, %dma_wait3A_1415] : memref<5x128x128xf32, #tpu.memory_space<vmem>> -> memref<1x128x64xf32, #tpu.memory_space<vmem>>
      %dma_wait3A_1417 = tpu.memref_squeeze %dma_wait3A_1416 : memref<1x128x64xf32, #tpu.memory_space<vmem>> -> memref<128x64xf32, #tpu.memory_space<vmem>>
      tpu.wait_dma2 semaphore(%dma_wait3A_1410 : memref<!tpu.dma_semaphore, #tpu.memory_space<semaphore_mem>>) src(%dma_wait3A_1417 : memref<128x64xf32, #tpu.memory_space<vmem>>) dst(%dma_wait3A_1413 : memref<128x64xf32, #tpu.memory_space<hbm>>)
      %dma_start3A_1418 = arith.constant 3 : i32
      %dma_start3A_1419 = arith.constant 3 : i32
      %dma_start3A_1420 = arith.constant 0 : i32
      %dma_start3A_1421 = arith.constant 0 : i32
      %dma_start3A_1422 = tpu.memref_slice %arg6[%dma_start3A_1418, %dma_start3A_1420, %dma_start3A_1421] : memref<5x128x128xf32, #tpu.memory_space<vmem>> -> memref<1x128x128xf32, #tpu.memory_space<vmem>>
      %dma_start3A_1423 = tpu.memref_squeeze %dma_start3A_1422 : memref<1x128x128xf32, #tpu.memory_space<vmem>> -> memref<128x128xf32, #tpu.memory_space<vmem>>
      %dma_start3A_1424 = arith.constant 0 : i32
      %dma_start3A_1425 = tpu.memref_slice %arg5[%add3A_1399, %dma_start3A_1424] : memref<200x128xi32, #tpu.memory_space<vmem>> -> memref<1x128xi32, #tpu.memory_space<vmem>>
      %dma_start3A_1426 = tpu.memref_squeeze %dma_start3A_1425 : memref<1x128xi32, #tpu.memory_space<vmem>> -> memref<128xi32, #tpu.memory_space<vmem>>
      %dma_start3A_1427 = arith.constant 0 : i32
      %dma_start3A_1428 = arith.constant 0 : i32
      %dma_start3A_1429 = tpu.memref_slice %arg3[%dma_start3A_1427, %dma_start3A_1428] : memref<1000000x128xf32, #tpu.memory_space<hbm>> -> memref<1000000x128xf32, #tpu.memory_space<hbm>>
      %dma_start3A_1430 = tpu.memref_slice %arg7[%dma_start3A_1419] : memref<5x!tpu.dma_semaphore, #tpu.memory_space<semaphore_mem>> -> memref<1x!tpu.dma_semaphore, #tpu.memory_space<semaphore_mem>>
      %dma_start3A_1431 = tpu.memref_squeeze %dma_start3A_1430 : memref<1x!tpu.dma_semaphore, #tpu.memory_space<semaphore_mem>> -> memref<!tpu.dma_semaphore, #tpu.memory_space<semaphore_mem>>
      tpu.enqueue_indirect_dma source(%dma_start3A_1429 : memref<1000000x128xf32, #tpu.memory_space<hbm>>) target(%dma_start3A_1423 : memref<128x128xf32, #tpu.memory_space<vmem>>) offsets(%dma_start3A_1426 : memref<128xi32, #tpu.memory_space<vmem>>) semaphore(%dma_start3A_1431 : memref<!tpu.dma_semaphore, #tpu.memory_space<semaphore_mem>>)
      %add3A_1432 = arith.constant 1 : i32
      %add3A_1433 = arith.addi %scan3A_714, %add3A_1432 : i32
      %mul3A_1434 = arith.constant 5 : i32
      %mul3A_1435 = arith.muli %add3A_1433, %mul3A_1434 : i32
      %add3A_1436 = arith.constant 4 : i32
      %add3A_1437 = arith.addi %mul3A_1435, %add3A_1436 : i32
      %dma_wait3A_1438 = arith.constant 4 : i32
      %dma_wait3A_1439 = arith.constant 4 : i32
      %dma_wait3A_1440 = arith.constant 0 : i32
      %dma_wait3A_1441 = arith.constant 0 : i32
      %dma_wait3A_1442 = tpu.memref_slice %arg6[%dma_wait3A_1438, %dma_wait3A_1440, %dma_wait3A_1441] : memref<5x128x128xf32, #tpu.memory_space<vmem>> -> memref<1x128x64xf32, #tpu.memory_space<vmem>>
      %dma_wait3A_1443 = tpu.memref_squeeze %dma_wait3A_1442 : memref<1x128x64xf32, #tpu.memory_space<vmem>> -> memref<128x64xf32, #tpu.memory_space<vmem>>
      %dma_wait3A_1444 = arith.constant 0 : i32
      %dma_wait3A_1445 = arith.constant 0 : i32
      %dma_wait3A_1446 = tpu.memref_slice %arg4[%dma_wait3A_1444, %dma_wait3A_1445] : memref<409600x128xf32, #tpu.memory_space<hbm>> -> memref<128x64xf32, #tpu.memory_space<hbm>>
      %dma_wait3A_1447 = tpu.memref_slice %arg8[%dma_wait3A_1439] : memref<5x!tpu.dma_semaphore, #tpu.memory_space<semaphore_mem>> -> memref<1x!tpu.dma_semaphore, #tpu.memory_space<semaphore_mem>>
      %dma_wait3A_1448 = tpu.memref_squeeze %dma_wait3A_1447 : memref<1x!tpu.dma_semaphore, #tpu.memory_space<semaphore_mem>> -> memref<!tpu.dma_semaphore, #tpu.memory_space<semaphore_mem>>
      %dma_wait3A_1449 = arith.constant 0 : i32
      %dma_wait3A_1450 = arith.constant 0 : i32
      %dma_wait3A_1451 = tpu.memref_slice %arg4[%dma_wait3A_1449, %dma_wait3A_1450] : memref<409600x128xf32, #tpu.memory_space<hbm>> -> memref<128x64xf32, #tpu.memory_space<hbm>>
      %dma_wait3A_1452 = arith.constant 0 : i32
      %dma_wait3A_1453 = arith.constant 0 : i32
      %dma_wait3A_1454 = tpu.memref_slice %arg6[%dma_wait3A_1438, %dma_wait3A_1452, %dma_wait3A_1453] : memref<5x128x128xf32, #tpu.memory_space<vmem>> -> memref<1x128x64xf32, #tpu.memory_space<vmem>>
      %dma_wait3A_1455 = tpu.memref_squeeze %dma_wait3A_1454 : memref<1x128x64xf32, #tpu.memory_space<vmem>> -> memref<128x64xf32, #tpu.memory_space<vmem>>
      tpu.wait_dma2 semaphore(%dma_wait3A_1448 : memref<!tpu.dma_semaphore, #tpu.memory_space<semaphore_mem>>) src(%dma_wait3A_1455 : memref<128x64xf32, #tpu.memory_space<vmem>>) dst(%dma_wait3A_1451 : memref<128x64xf32, #tpu.memory_space<hbm>>)
      %dma_start3A_1456 = arith.constant 4 : i32
      %dma_start3A_1457 = arith.constant 4 : i32
      %dma_start3A_1458 = arith.constant 0 : i32
      %dma_start3A_1459 = arith.constant 0 : i32
      %dma_start3A_1460 = tpu.memref_slice %arg6[%dma_start3A_1456, %dma_start3A_1458, %dma_start3A_1459] : memref<5x128x128xf32, #tpu.memory_space<vmem>> -> memref<1x128x128xf32, #tpu.memory_space<vmem>>
      %dma_start3A_1461 = tpu.memref_squeeze %dma_start3A_1460 : memref<1x128x128xf32, #tpu.memory_space<vmem>> -> memref<128x128xf32, #tpu.memory_space<vmem>>
      %dma_start3A_1462 = arith.constant 0 : i32
      %dma_start3A_1463 = tpu.memref_slice %arg5[%add3A_1437, %dma_start3A_1462] : memref<200x128xi32, #tpu.memory_space<vmem>> -> memref<1x128xi32, #tpu.memory_space<vmem>>
      %dma_start3A_1464 = tpu.memref_squeeze %dma_start3A_1463 : memref<1x128xi32, #tpu.memory_space<vmem>> -> memref<128xi32, #tpu.memory_space<vmem>>
      %dma_start3A_1465 = arith.constant 0 : i32
      %dma_start3A_1466 = arith.constant 0 : i32
      %dma_start3A_1467 = tpu.memref_slice %arg3[%dma_start3A_1465, %dma_start3A_1466] : memref<1000000x128xf32, #tpu.memory_space<hbm>> -> memref<1000000x128xf32, #tpu.memory_space<hbm>>
      %dma_start3A_1468 = tpu.memref_slice %arg7[%dma_start3A_1457] : memref<5x!tpu.dma_semaphore, #tpu.memory_space<semaphore_mem>> -> memref<1x!tpu.dma_semaphore, #tpu.memory_space<semaphore_mem>>
      %dma_start3A_1469 = tpu.memref_squeeze %dma_start3A_1468 : memref<1x!tpu.dma_semaphore, #tpu.memory_space<semaphore_mem>> -> memref<!tpu.dma_semaphore, #tpu.memory_space<semaphore_mem>>
      tpu.enqueue_indirect_dma source(%dma_start3A_1467 : memref<1000000x128xf32, #tpu.memory_space<hbm>>) target(%dma_start3A_1461 : memref<128x128xf32, #tpu.memory_space<vmem>>) offsets(%dma_start3A_1464 : memref<128xi32, #tpu.memory_space<vmem>>) semaphore(%dma_start3A_1469 : memref<!tpu.dma_semaphore, #tpu.memory_space<semaphore_mem>>)
    }
    %scan3A_81 = arith.constant 39 : i32
    %dma_wait3A = arith.constant 195 : i32
    %dma_wait3A_82 = arith.constant 0 : i32
    %dma_wait3A_83 = arith.constant 0 : i32
    %dma_wait3A_84 = arith.constant 0 : i32
    %dma_wait3A_85 = arith.constant 0 : i32
    %dma_wait3A_86 = tpu.memref_slice %arg6[%dma_wait3A_82, %dma_wait3A_84, %dma_wait3A_85] : memref<5x128x128xf32, #tpu.memory_space<vmem>> -> memref<1x128x128xf32, #tpu.memory_space<vmem>>
    %dma_wait3A_87 = tpu.memref_squeeze %dma_wait3A_86 : memref<1x128x128xf32, #tpu.memory_space<vmem>> -> memref<128x128xf32, #tpu.memory_space<vmem>>
    %dma_wait3A_88 = arith.constant 0 : i32
    %dma_wait3A_89 = tpu.memref_slice %arg5[%dma_wait3A, %dma_wait3A_88] : memref<200x128xi32, #tpu.memory_space<vmem>> -> memref<1x128xi32, #tpu.memory_space<vmem>>
    %dma_wait3A_90 = tpu.memref_squeeze %dma_wait3A_89 : memref<1x128xi32, #tpu.memory_space<vmem>> -> memref<128xi32, #tpu.memory_space<vmem>>
    %dma_wait3A_91 = arith.constant 0 : i32
    %dma_wait3A_92 = arith.constant 0 : i32
    %dma_wait3A_93 = tpu.memref_slice %arg3[%dma_wait3A_91, %dma_wait3A_92] : memref<1000000x128xf32, #tpu.memory_space<hbm>> -> memref<1000000x128xf32, #tpu.memory_space<hbm>>
    %dma_wait3A_94 = tpu.memref_slice %arg7[%dma_wait3A_83] : memref<5x!tpu.dma_semaphore, #tpu.memory_space<semaphore_mem>> -> memref<1x!tpu.dma_semaphore, #tpu.memory_space<semaphore_mem>>
    %dma_wait3A_95 = tpu.memref_squeeze %dma_wait3A_94 : memref<1x!tpu.dma_semaphore, #tpu.memory_space<semaphore_mem>> -> memref<!tpu.dma_semaphore, #tpu.memory_space<semaphore_mem>>
    tpu.wait_indirect_dma semaphore(%dma_wait3A_95 : memref<!tpu.dma_semaphore, #tpu.memory_space<semaphore_mem>>) src(%dma_wait3A_93 : memref<1000000x128xf32, #tpu.memory_space<hbm>>) dst(%dma_wait3A_87 : memref<128x128xf32, #tpu.memory_space<vmem>>)
    %add3A_96 = arith.constant 195 : i32
    %add3A_97 = arith.addi %mul3A_2, %add3A_96 : i32
    %shift_right_arithmetic3A = arith.constant 7 : i32
    %shift_right_arithmetic3A_98 = arith.shrsi %add3A_97, %shift_right_arithmetic3A : i32
    %shift_left3A = arith.constant 7 : i32
    %shift_left3A_99 = arith.shli %add3A_97, %shift_left3A : i32
    %and3A = arith.constant 16383 : i32
    %and3A_100 = arith.andi %shift_left3A_99, %and3A : i32
    %jit3A = arith.constant 16384 : i32
    %div3A = arith.divsi %and3A_100, %jit3A : i32
    %sign3A = arith.constant 0 : i32
    %sign3A_101 = arith.cmpi sgt, %and3A_100, %sign3A : i32
    %sign3A_102 = arith.extui %sign3A_101 : i1 to i32
    %sign3A_103 = arith.constant 0 : i32
    %sign3A_104 = arith.cmpi slt, %and3A_100, %sign3A_103 : i32
    %sign3A_105 = arith.extui %sign3A_104 : i1 to i32
    %sign3A_106 = arith.subi %sign3A_102, %sign3A_105 : i32
    %sign3A_107 = arith.constant 0 : i32
    %sign3A_108 = arith.cmpi sgt, %jit3A, %sign3A_107 : i32
    %sign3A_109 = arith.extui %sign3A_108 : i1 to i32
    %sign3A_110 = arith.constant 0 : i32
    %sign3A_111 = arith.cmpi slt, %jit3A, %sign3A_110 : i32
    %sign3A_112 = arith.extui %sign3A_111 : i1 to i32
    %sign3A_113 = arith.subi %sign3A_109, %sign3A_112 : i32
    %ne3A = arith.cmpi ne, %sign3A_106, %sign3A_113 : i32
    %rem3A = arith.remsi %and3A_100, %jit3A : i32
    %ne3A_114 = arith.constant 0 : i32
    %ne3A_115 = arith.cmpi ne, %rem3A, %ne3A_114 : i32
    %and3A_116 = arith.andi %ne3A, %ne3A_115 : i1
    %sub3A = arith.constant 1 : i32
    %sub3A_117 = arith.subi %div3A, %sub3A : i32
    %select_n3A = arith.select %and3A_116, %sub3A_117, %div3A : i32
    %jit3A_118 = arith.constant 8192 : i32
    %eq3A = arith.constant 0 : i32
    %eq3A_119 = arith.cmpi eq, %jit3A_118, %eq3A : i32
    %jit3A_120 = arith.constant 1 : i32
    %select_n3A_121 = arith.select %eq3A_119, %jit3A_120, %jit3A_118 : i32
    %rem3A_122 = arith.remsi %and3A_100, %select_n3A_121 : i32
    %ne3A_123 = arith.constant 0 : i32
    %ne3A_124 = arith.cmpi ne, %rem3A_122, %ne3A_123 : i32
    %lt3A = arith.constant 0 : i32
    %lt3A_125 = arith.cmpi slt, %rem3A_122, %lt3A : i32
    %lt3A_126 = arith.constant 0 : i32
    %lt3A_127 = arith.cmpi slt, %select_n3A_121, %lt3A_126 : i32
    %ne3A_128 = arith.xori %lt3A_125, %lt3A_127 : i1
    %and3A_129 = arith.andi %ne3A_128, %ne3A_124 : i1
    %add3A_130 = arith.addi %rem3A_122, %select_n3A_121 : i32
    %select_n3A_131 = arith.select %and3A_129, %add3A_130, %rem3A_122 : i32
    %jit3A_132 = arith.constant 8192 : i32
    %div3A_133 = arith.divsi %and3A_100, %jit3A_132 : i32
    %sign3A_134 = arith.constant 0 : i32
    %sign3A_135 = arith.cmpi sgt, %and3A_100, %sign3A_134 : i32
    %sign3A_136 = arith.extui %sign3A_135 : i1 to i32
    %sign3A_137 = arith.constant 0 : i32
    %sign3A_138 = arith.cmpi slt, %and3A_100, %sign3A_137 : i32
    %sign3A_139 = arith.extui %sign3A_138 : i1 to i32
    %sign3A_140 = arith.subi %sign3A_136, %sign3A_139 : i32
    %sign3A_141 = arith.constant 0 : i32
    %sign3A_142 = arith.cmpi sgt, %jit3A_132, %sign3A_141 : i32
    %sign3A_143 = arith.extui %sign3A_142 : i1 to i32
    %sign3A_144 = arith.constant 0 : i32
    %sign3A_145 = arith.cmpi slt, %jit3A_132, %sign3A_144 : i32
    %sign3A_146 = arith.extui %sign3A_145 : i1 to i32
    %sign3A_147 = arith.subi %sign3A_143, %sign3A_146 : i32
    %ne3A_148 = arith.cmpi ne, %sign3A_140, %sign3A_147 : i32
    %rem3A_149 = arith.remsi %and3A_100, %jit3A_132 : i32
    %ne3A_150 = arith.constant 0 : i32
    %ne3A_151 = arith.cmpi ne, %rem3A_149, %ne3A_150 : i32
    %and3A_152 = arith.andi %ne3A_148, %ne3A_151 : i1
    %sub3A_153 = arith.constant 1 : i32
    %sub3A_154 = arith.subi %div3A_133, %sub3A_153 : i32
    %select_n3A_155 = arith.select %and3A_152, %sub3A_154, %div3A_133 : i32
    %and3A_156 = arith.constant 1 : i32
    %and3A_157 = arith.andi %select_n3A_155, %and3A_156 : i32
    %mul3A_158 = arith.constant 8192 : i32
    %mul3A_159 = arith.muli %shift_right_arithmetic3A_98, %mul3A_158 : i32
    %mul3A_160 = arith.constant 8192 : i32
    %mul3A_161 = arith.muli %select_n3A, %mul3A_160 : i32
    %add3A_162 = arith.addi %mul3A_159, %mul3A_161 : i32
    %add3A_163 = arith.addi %add3A_162, %select_n3A_131 : i32
    %mul3A_164 = arith.constant 64 : i32
    %mul3A_165 = arith.muli %and3A_157, %mul3A_164 : i32
    %dma_start3A_166 = arith.constant 0 : i32
    %dma_start3A_167 = arith.constant 0 : i32
    %dma_start3A_168 = arith.constant 0 : i32
    %dma_start3A_169 = arith.constant 0 : i32
    %dma_start3A_170 = tpu.memref_slice %arg6[%dma_start3A_166, %dma_start3A_168, %dma_start3A_169] : memref<5x128x128xf32, #tpu.memory_space<vmem>> -> memref<1x128x64xf32, #tpu.memory_space<vmem>>
    %dma_start3A_171 = tpu.memref_squeeze %dma_start3A_170 : memref<1x128x64xf32, #tpu.memory_space<vmem>> -> memref<128x64xf32, #tpu.memory_space<vmem>>
    %dma_start3A_172 = tpu.memref_slice %arg4[%add3A_163, %mul3A_165] : memref<409600x128xf32, #tpu.memory_space<hbm>> -> memref<128x64xf32, #tpu.memory_space<hbm>>
    %dma_start3A_173 = tpu.memref_slice %arg8[%dma_start3A_167] : memref<5x!tpu.dma_semaphore, #tpu.memory_space<semaphore_mem>> -> memref<1x!tpu.dma_semaphore, #tpu.memory_space<semaphore_mem>>
    %dma_start3A_174 = tpu.memref_squeeze %dma_start3A_173 : memref<1x!tpu.dma_semaphore, #tpu.memory_space<semaphore_mem>> -> memref<!tpu.dma_semaphore, #tpu.memory_space<semaphore_mem>>
    %dma_start3A_175 = tpu.memref_slice %arg4[%add3A_163, %mul3A_165] : memref<409600x128xf32, #tpu.memory_space<hbm>> -> memref<128x64xf32, #tpu.memory_space<hbm>>
    %dma_start3A_176 = arith.constant 0 : i32
    %dma_start3A_177 = arith.constant 0 : i32
    %dma_start3A_178 = tpu.memref_slice %arg6[%dma_start3A_166, %dma_start3A_176, %dma_start3A_177] : memref<5x128x128xf32, #tpu.memory_space<vmem>> -> memref<1x128x64xf32, #tpu.memory_space<vmem>>
    %dma_start3A_179 = tpu.memref_squeeze %dma_start3A_178 : memref<1x128x64xf32, #tpu.memory_space<vmem>> -> memref<128x64xf32, #tpu.memory_space<vmem>>
    tpu.enqueue_dma source(%dma_start3A_179 : memref<128x64xf32, #tpu.memory_space<vmem>>) target(%dma_start3A_175 : memref<128x64xf32, #tpu.memory_space<hbm>>) target_semaphore(%dma_start3A_174 : memref<!tpu.dma_semaphore, #tpu.memory_space<semaphore_mem>>)
    %dma_wait3A_180 = arith.constant 196 : i32
    %dma_wait3A_181 = arith.constant 1 : i32
    %dma_wait3A_182 = arith.constant 1 : i32
    %dma_wait3A_183 = arith.constant 0 : i32
    %dma_wait3A_184 = arith.constant 0 : i32
    %dma_wait3A_185 = tpu.memref_slice %arg6[%dma_wait3A_181, %dma_wait3A_183, %dma_wait3A_184] : memref<5x128x128xf32, #tpu.memory_space<vmem>> -> memref<1x128x128xf32, #tpu.memory_space<vmem>>
    %dma_wait3A_186 = tpu.memref_squeeze %dma_wait3A_185 : memref<1x128x128xf32, #tpu.memory_space<vmem>> -> memref<128x128xf32, #tpu.memory_space<vmem>>
    %dma_wait3A_187 = arith.constant 0 : i32
    %dma_wait3A_188 = tpu.memref_slice %arg5[%dma_wait3A_180, %dma_wait3A_187] : memref<200x128xi32, #tpu.memory_space<vmem>> -> memref<1x128xi32, #tpu.memory_space<vmem>>
    %dma_wait3A_189 = tpu.memref_squeeze %dma_wait3A_188 : memref<1x128xi32, #tpu.memory_space<vmem>> -> memref<128xi32, #tpu.memory_space<vmem>>
    %dma_wait3A_190 = arith.constant 0 : i32
    %dma_wait3A_191 = arith.constant 0 : i32
    %dma_wait3A_192 = tpu.memref_slice %arg3[%dma_wait3A_190, %dma_wait3A_191] : memref<1000000x128xf32, #tpu.memory_space<hbm>> -> memref<1000000x128xf32, #tpu.memory_space<hbm>>
    %dma_wait3A_193 = tpu.memref_slice %arg7[%dma_wait3A_182] : memref<5x!tpu.dma_semaphore, #tpu.memory_space<semaphore_mem>> -> memref<1x!tpu.dma_semaphore, #tpu.memory_space<semaphore_mem>>
    %dma_wait3A_194 = tpu.memref_squeeze %dma_wait3A_193 : memref<1x!tpu.dma_semaphore, #tpu.memory_space<semaphore_mem>> -> memref<!tpu.dma_semaphore, #tpu.memory_space<semaphore_mem>>
    tpu.wait_indirect_dma semaphore(%dma_wait3A_194 : memref<!tpu.dma_semaphore, #tpu.memory_space<semaphore_mem>>) src(%dma_wait3A_192 : memref<1000000x128xf32, #tpu.memory_space<hbm>>) dst(%dma_wait3A_186 : memref<128x128xf32, #tpu.memory_space<vmem>>)
    %add3A_195 = arith.constant 196 : i32
    %add3A_196 = arith.addi %mul3A_2, %add3A_195 : i32
    %shift_right_arithmetic3A_197 = arith.constant 7 : i32
    %shift_right_arithmetic3A_198 = arith.shrsi %add3A_196, %shift_right_arithmetic3A_197 : i32
    %shift_left3A_199 = arith.constant 7 : i32
    %shift_left3A_200 = arith.shli %add3A_196, %shift_left3A_199 : i32
    %and3A_201 = arith.constant 16383 : i32
    %and3A_202 = arith.andi %shift_left3A_200, %and3A_201 : i32
    %jit3A_203 = arith.constant 16384 : i32
    %div3A_204 = arith.divsi %and3A_202, %jit3A_203 : i32
    %sign3A_205 = arith.constant 0 : i32
    %sign3A_206 = arith.cmpi sgt, %and3A_202, %sign3A_205 : i32
    %sign3A_207 = arith.extui %sign3A_206 : i1 to i32
    %sign3A_208 = arith.constant 0 : i32
    %sign3A_209 = arith.cmpi slt, %and3A_202, %sign3A_208 : i32
    %sign3A_210 = arith.extui %sign3A_209 : i1 to i32
    %sign3A_211 = arith.subi %sign3A_207, %sign3A_210 : i32
    %sign3A_212 = arith.constant 0 : i32
    %sign3A_213 = arith.cmpi sgt, %jit3A_203, %sign3A_212 : i32
    %sign3A_214 = arith.extui %sign3A_213 : i1 to i32
    %sign3A_215 = arith.constant 0 : i32
    %sign3A_216 = arith.cmpi slt, %jit3A_203, %sign3A_215 : i32
    %sign3A_217 = arith.extui %sign3A_216 : i1 to i32
    %sign3A_218 = arith.subi %sign3A_214, %sign3A_217 : i32
    %ne3A_219 = arith.cmpi ne, %sign3A_211, %sign3A_218 : i32
    %rem3A_220 = arith.remsi %and3A_202, %jit3A_203 : i32
    %ne3A_221 = arith.constant 0 : i32
    %ne3A_222 = arith.cmpi ne, %rem3A_220, %ne3A_221 : i32
    %and3A_223 = arith.andi %ne3A_219, %ne3A_222 : i1
    %sub3A_224 = arith.constant 1 : i32
    %sub3A_225 = arith.subi %div3A_204, %sub3A_224 : i32
    %select_n3A_226 = arith.select %and3A_223, %sub3A_225, %div3A_204 : i32
    %jit3A_227 = arith.constant 8192 : i32
    %eq3A_228 = arith.constant 0 : i32
    %eq3A_229 = arith.cmpi eq, %jit3A_227, %eq3A_228 : i32
    %jit3A_230 = arith.constant 1 : i32
    %select_n3A_231 = arith.select %eq3A_229, %jit3A_230, %jit3A_227 : i32
    %rem3A_232 = arith.remsi %and3A_202, %select_n3A_231 : i32
    %ne3A_233 = arith.constant 0 : i32
    %ne3A_234 = arith.cmpi ne, %rem3A_232, %ne3A_233 : i32
    %lt3A_235 = arith.constant 0 : i32
    %lt3A_236 = arith.cmpi slt, %rem3A_232, %lt3A_235 : i32
    %lt3A_237 = arith.constant 0 : i32
    %lt3A_238 = arith.cmpi slt, %select_n3A_231, %lt3A_237 : i32
    %ne3A_239 = arith.xori %lt3A_236, %lt3A_238 : i1
    %and3A_240 = arith.andi %ne3A_239, %ne3A_234 : i1
    %add3A_241 = arith.addi %rem3A_232, %select_n3A_231 : i32
    %select_n3A_242 = arith.select %and3A_240, %add3A_241, %rem3A_232 : i32
    %jit3A_243 = arith.constant 8192 : i32
    %div3A_244 = arith.divsi %and3A_202, %jit3A_243 : i32
    %sign3A_245 = arith.constant 0 : i32
    %sign3A_246 = arith.cmpi sgt, %and3A_202, %sign3A_245 : i32
    %sign3A_247 = arith.extui %sign3A_246 : i1 to i32
    %sign3A_248 = arith.constant 0 : i32
    %sign3A_249 = arith.cmpi slt, %and3A_202, %sign3A_248 : i32
    %sign3A_250 = arith.extui %sign3A_249 : i1 to i32
    %sign3A_251 = arith.subi %sign3A_247, %sign3A_250 : i32
    %sign3A_252 = arith.constant 0 : i32
    %sign3A_253 = arith.cmpi sgt, %jit3A_243, %sign3A_252 : i32
    %sign3A_254 = arith.extui %sign3A_253 : i1 to i32
    %sign3A_255 = arith.constant 0 : i32
    %sign3A_256 = arith.cmpi slt, %jit3A_243, %sign3A_255 : i32
    %sign3A_257 = arith.extui %sign3A_256 : i1 to i32
    %sign3A_258 = arith.subi %sign3A_254, %sign3A_257 : i32
    %ne3A_259 = arith.cmpi ne, %sign3A_251, %sign3A_258 : i32
    %rem3A_260 = arith.remsi %and3A_202, %jit3A_243 : i32
    %ne3A_261 = arith.constant 0 : i32
    %ne3A_262 = arith.cmpi ne, %rem3A_260, %ne3A_261 : i32
    %and3A_263 = arith.andi %ne3A_259, %ne3A_262 : i1
    %sub3A_264 = arith.constant 1 : i32
    %sub3A_265 = arith.subi %div3A_244, %sub3A_264 : i32
    %select_n3A_266 = arith.select %and3A_263, %sub3A_265, %div3A_244 : i32
    %and3A_267 = arith.constant 1 : i32
    %and3A_268 = arith.andi %select_n3A_266, %and3A_267 : i32
    %mul3A_269 = arith.constant 8192 : i32
    %mul3A_270 = arith.muli %shift_right_arithmetic3A_198, %mul3A_269 : i32
    %mul3A_271 = arith.constant 8192 : i32
    %mul3A_272 = arith.muli %select_n3A_226, %mul3A_271 : i32
    %add3A_273 = arith.addi %mul3A_270, %mul3A_272 : i32
    %add3A_274 = arith.addi %add3A_273, %select_n3A_242 : i32
    %mul3A_275 = arith.constant 64 : i32
    %mul3A_276 = arith.muli %and3A_268, %mul3A_275 : i32
    %dma_start3A_277 = arith.constant 1 : i32
    %dma_start3A_278 = arith.constant 1 : i32
    %dma_start3A_279 = arith.constant 0 : i32
    %dma_start3A_280 = arith.constant 0 : i32
    %dma_start3A_281 = tpu.memref_slice %arg6[%dma_start3A_277, %dma_start3A_279, %dma_start3A_280] : memref<5x128x128xf32, #tpu.memory_space<vmem>> -> memref<1x128x64xf32, #tpu.memory_space<vmem>>
    %dma_start3A_282 = tpu.memref_squeeze %dma_start3A_281 : memref<1x128x64xf32, #tpu.memory_space<vmem>> -> memref<128x64xf32, #tpu.memory_space<vmem>>
    %dma_start3A_283 = tpu.memref_slice %arg4[%add3A_274, %mul3A_276] : memref<409600x128xf32, #tpu.memory_space<hbm>> -> memref<128x64xf32, #tpu.memory_space<hbm>>
    %dma_start3A_284 = tpu.memref_slice %arg8[%dma_start3A_278] : memref<5x!tpu.dma_semaphore, #tpu.memory_space<semaphore_mem>> -> memref<1x!tpu.dma_semaphore, #tpu.memory_space<semaphore_mem>>
    %dma_start3A_285 = tpu.memref_squeeze %dma_start3A_284 : memref<1x!tpu.dma_semaphore, #tpu.memory_space<semaphore_mem>> -> memref<!tpu.dma_semaphore, #tpu.memory_space<semaphore_mem>>
    %dma_start3A_286 = tpu.memref_slice %arg4[%add3A_274, %mul3A_276] : memref<409600x128xf32, #tpu.memory_space<hbm>> -> memref<128x64xf32, #tpu.memory_space<hbm>>
    %dma_start3A_287 = arith.constant 0 : i32
    %dma_start3A_288 = arith.constant 0 : i32
    %dma_start3A_289 = tpu.memref_slice %arg6[%dma_start3A_277, %dma_start3A_287, %dma_start3A_288] : memref<5x128x128xf32, #tpu.memory_space<vmem>> -> memref<1x128x64xf32, #tpu.memory_space<vmem>>
    %dma_start3A_290 = tpu.memref_squeeze %dma_start3A_289 : memref<1x128x64xf32, #tpu.memory_space<vmem>> -> memref<128x64xf32, #tpu.memory_space<vmem>>
    tpu.enqueue_dma source(%dma_start3A_290 : memref<128x64xf32, #tpu.memory_space<vmem>>) target(%dma_start3A_286 : memref<128x64xf32, #tpu.memory_space<hbm>>) target_semaphore(%dma_start3A_285 : memref<!tpu.dma_semaphore, #tpu.memory_space<semaphore_mem>>)
    %dma_wait3A_291 = arith.constant 197 : i32
    %dma_wait3A_292 = arith.constant 2 : i32
    %dma_wait3A_293 = arith.constant 2 : i32
    %dma_wait3A_294 = arith.constant 0 : i32
    %dma_wait3A_295 = arith.constant 0 : i32
    %dma_wait3A_296 = tpu.memref_slice %arg6[%dma_wait3A_292, %dma_wait3A_294, %dma_wait3A_295] : memref<5x128x128xf32, #tpu.memory_space<vmem>> -> memref<1x128x128xf32, #tpu.memory_space<vmem>>
    %dma_wait3A_297 = tpu.memref_squeeze %dma_wait3A_296 : memref<1x128x128xf32, #tpu.memory_space<vmem>> -> memref<128x128xf32, #tpu.memory_space<vmem>>
    %dma_wait3A_298 = arith.constant 0 : i32
    %dma_wait3A_299 = tpu.memref_slice %arg5[%dma_wait3A_291, %dma_wait3A_298] : memref<200x128xi32, #tpu.memory_space<vmem>> -> memref<1x128xi32, #tpu.memory_space<vmem>>
    %dma_wait3A_300 = tpu.memref_squeeze %dma_wait3A_299 : memref<1x128xi32, #tpu.memory_space<vmem>> -> memref<128xi32, #tpu.memory_space<vmem>>
    %dma_wait3A_301 = arith.constant 0 : i32
    %dma_wait3A_302 = arith.constant 0 : i32
    %dma_wait3A_303 = tpu.memref_slice %arg3[%dma_wait3A_301, %dma_wait3A_302] : memref<1000000x128xf32, #tpu.memory_space<hbm>> -> memref<1000000x128xf32, #tpu.memory_space<hbm>>
    %dma_wait3A_304 = tpu.memref_slice %arg7[%dma_wait3A_293] : memref<5x!tpu.dma_semaphore, #tpu.memory_space<semaphore_mem>> -> memref<1x!tpu.dma_semaphore, #tpu.memory_space<semaphore_mem>>
    %dma_wait3A_305 = tpu.memref_squeeze %dma_wait3A_304 : memref<1x!tpu.dma_semaphore, #tpu.memory_space<semaphore_mem>> -> memref<!tpu.dma_semaphore, #tpu.memory_space<semaphore_mem>>
    tpu.wait_indirect_dma semaphore(%dma_wait3A_305 : memref<!tpu.dma_semaphore, #tpu.memory_space<semaphore_mem>>) src(%dma_wait3A_303 : memref<1000000x128xf32, #tpu.memory_space<hbm>>) dst(%dma_wait3A_297 : memref<128x128xf32, #tpu.memory_space<vmem>>)
    %add3A_306 = arith.constant 197 : i32
    %add3A_307 = arith.addi %mul3A_2, %add3A_306 : i32
    %shift_right_arithmetic3A_308 = arith.constant 7 : i32
    %shift_right_arithmetic3A_309 = arith.shrsi %add3A_307, %shift_right_arithmetic3A_308 : i32
    %shift_left3A_310 = arith.constant 7 : i32
    %shift_left3A_311 = arith.shli %add3A_307, %shift_left3A_310 : i32
    %and3A_312 = arith.constant 16383 : i32
    %and3A_313 = arith.andi %shift_left3A_311, %and3A_312 : i32
    %jit3A_314 = arith.constant 16384 : i32
    %div3A_315 = arith.divsi %and3A_313, %jit3A_314 : i32
    %sign3A_316 = arith.constant 0 : i32
    %sign3A_317 = arith.cmpi sgt, %and3A_313, %sign3A_316 : i32
    %sign3A_318 = arith.extui %sign3A_317 : i1 to i32
    %sign3A_319 = arith.constant 0 : i32
    %sign3A_320 = arith.cmpi slt, %and3A_313, %sign3A_319 : i32
    %sign3A_321 = arith.extui %sign3A_320 : i1 to i32
    %sign3A_322 = arith.subi %sign3A_318, %sign3A_321 : i32
    %sign3A_323 = arith.constant 0 : i32
    %sign3A_324 = arith.cmpi sgt, %jit3A_314, %sign3A_323 : i32
    %sign3A_325 = arith.extui %sign3A_324 : i1 to i32
    %sign3A_326 = arith.constant 0 : i32
    %sign3A_327 = arith.cmpi slt, %jit3A_314, %sign3A_326 : i32
    %sign3A_328 = arith.extui %sign3A_327 : i1 to i32
    %sign3A_329 = arith.subi %sign3A_325, %sign3A_328 : i32
    %ne3A_330 = arith.cmpi ne, %sign3A_322, %sign3A_329 : i32
    %rem3A_331 = arith.remsi %and3A_313, %jit3A_314 : i32
    %ne3A_332 = arith.constant 0 : i32
    %ne3A_333 = arith.cmpi ne, %rem3A_331, %ne3A_332 : i32
    %and3A_334 = arith.andi %ne3A_330, %ne3A_333 : i1
    %sub3A_335 = arith.constant 1 : i32
    %sub3A_336 = arith.subi %div3A_315, %sub3A_335 : i32
    %select_n3A_337 = arith.select %and3A_334, %sub3A_336, %div3A_315 : i32
    %jit3A_338 = arith.constant 8192 : i32
    %eq3A_339 = arith.constant 0 : i32
    %eq3A_340 = arith.cmpi eq, %jit3A_338, %eq3A_339 : i32
    %jit3A_341 = arith.constant 1 : i32
    %select_n3A_342 = arith.select %eq3A_340, %jit3A_341, %jit3A_338 : i32
    %rem3A_343 = arith.remsi %and3A_313, %select_n3A_342 : i32
    %ne3A_344 = arith.constant 0 : i32
    %ne3A_345 = arith.cmpi ne, %rem3A_343, %ne3A_344 : i32
    %lt3A_346 = arith.constant 0 : i32
    %lt3A_347 = arith.cmpi slt, %rem3A_343, %lt3A_346 : i32
    %lt3A_348 = arith.constant 0 : i32
    %lt3A_349 = arith.cmpi slt, %select_n3A_342, %lt3A_348 : i32
    %ne3A_350 = arith.xori %lt3A_347, %lt3A_349 : i1
    %and3A_351 = arith.andi %ne3A_350, %ne3A_345 : i1
    %add3A_352 = arith.addi %rem3A_343, %select_n3A_342 : i32
    %select_n3A_353 = arith.select %and3A_351, %add3A_352, %rem3A_343 : i32
    %jit3A_354 = arith.constant 8192 : i32
    %div3A_355 = arith.divsi %and3A_313, %jit3A_354 : i32
    %sign3A_356 = arith.constant 0 : i32
    %sign3A_357 = arith.cmpi sgt, %and3A_313, %sign3A_356 : i32
    %sign3A_358 = arith.extui %sign3A_357 : i1 to i32
    %sign3A_359 = arith.constant 0 : i32
    %sign3A_360 = arith.cmpi slt, %and3A_313, %sign3A_359 : i32
    %sign3A_361 = arith.extui %sign3A_360 : i1 to i32
    %sign3A_362 = arith.subi %sign3A_358, %sign3A_361 : i32
    %sign3A_363 = arith.constant 0 : i32
    %sign3A_364 = arith.cmpi sgt, %jit3A_354, %sign3A_363 : i32
    %sign3A_365 = arith.extui %sign3A_364 : i1 to i32
    %sign3A_366 = arith.constant 0 : i32
    %sign3A_367 = arith.cmpi slt, %jit3A_354, %sign3A_366 : i32
    %sign3A_368 = arith.extui %sign3A_367 : i1 to i32
    %sign3A_369 = arith.subi %sign3A_365, %sign3A_368 : i32
    %ne3A_370 = arith.cmpi ne, %sign3A_362, %sign3A_369 : i32
    %rem3A_371 = arith.remsi %and3A_313, %jit3A_354 : i32
    %ne3A_372 = arith.constant 0 : i32
    %ne3A_373 = arith.cmpi ne, %rem3A_371, %ne3A_372 : i32
    %and3A_374 = arith.andi %ne3A_370, %ne3A_373 : i1
    %sub3A_375 = arith.constant 1 : i32
    %sub3A_376 = arith.subi %div3A_355, %sub3A_375 : i32
    %select_n3A_377 = arith.select %and3A_374, %sub3A_376, %div3A_355 : i32
    %and3A_378 = arith.constant 1 : i32
    %and3A_379 = arith.andi %select_n3A_377, %and3A_378 : i32
    %mul3A_380 = arith.constant 8192 : i32
    %mul3A_381 = arith.muli %shift_right_arithmetic3A_309, %mul3A_380 : i32
    %mul3A_382 = arith.constant 8192 : i32
    %mul3A_383 = arith.muli %select_n3A_337, %mul3A_382 : i32
    %add3A_384 = arith.addi %mul3A_381, %mul3A_383 : i32
    %add3A_385 = arith.addi %add3A_384, %select_n3A_353 : i32
    %mul3A_386 = arith.constant 64 : i32
    %mul3A_387 = arith.muli %and3A_379, %mul3A_386 : i32
    %dma_start3A_388 = arith.constant 2 : i32
    %dma_start3A_389 = arith.constant 2 : i32
    %dma_start3A_390 = arith.constant 0 : i32
    %dma_start3A_391 = arith.constant 0 : i32
    %dma_start3A_392 = tpu.memref_slice %arg6[%dma_start3A_388, %dma_start3A_390, %dma_start3A_391] : memref<5x128x128xf32, #tpu.memory_space<vmem>> -> memref<1x128x64xf32, #tpu.memory_space<vmem>>
    %dma_start3A_393 = tpu.memref_squeeze %dma_start3A_392 : memref<1x128x64xf32, #tpu.memory_space<vmem>> -> memref<128x64xf32, #tpu.memory_space<vmem>>
    %dma_start3A_394 = tpu.memref_slice %arg4[%add3A_385, %mul3A_387] : memref<409600x128xf32, #tpu.memory_space<hbm>> -> memref<128x64xf32, #tpu.memory_space<hbm>>
    %dma_start3A_395 = tpu.memref_slice %arg8[%dma_start3A_389] : memref<5x!tpu.dma_semaphore, #tpu.memory_space<semaphore_mem>> -> memref<1x!tpu.dma_semaphore, #tpu.memory_space<semaphore_mem>>
    %dma_start3A_396 = tpu.memref_squeeze %dma_start3A_395 : memref<1x!tpu.dma_semaphore, #tpu.memory_space<semaphore_mem>> -> memref<!tpu.dma_semaphore, #tpu.memory_space<semaphore_mem>>
    %dma_start3A_397 = tpu.memref_slice %arg4[%add3A_385, %mul3A_387] : memref<409600x128xf32, #tpu.memory_space<hbm>> -> memref<128x64xf32, #tpu.memory_space<hbm>>
    %dma_start3A_398 = arith.constant 0 : i32
    %dma_start3A_399 = arith.constant 0 : i32
    %dma_start3A_400 = tpu.memref_slice %arg6[%dma_start3A_388, %dma_start3A_398, %dma_start3A_399] : memref<5x128x128xf32, #tpu.memory_space<vmem>> -> memref<1x128x64xf32, #tpu.memory_space<vmem>>
    %dma_start3A_401 = tpu.memref_squeeze %dma_start3A_400 : memref<1x128x64xf32, #tpu.memory_space<vmem>> -> memref<128x64xf32, #tpu.memory_space<vmem>>
    tpu.enqueue_dma source(%dma_start3A_401 : memref<128x64xf32, #tpu.memory_space<vmem>>) target(%dma_start3A_397 : memref<128x64xf32, #tpu.memory_space<hbm>>) target_semaphore(%dma_start3A_396 : memref<!tpu.dma_semaphore, #tpu.memory_space<semaphore_mem>>)
    %dma_wait3A_402 = arith.constant 198 : i32
    %dma_wait3A_403 = arith.constant 3 : i32
    %dma_wait3A_404 = arith.constant 3 : i32
    %dma_wait3A_405 = arith.constant 0 : i32
    %dma_wait3A_406 = arith.constant 0 : i32
    %dma_wait3A_407 = tpu.memref_slice %arg6[%dma_wait3A_403, %dma_wait3A_405, %dma_wait3A_406] : memref<5x128x128xf32, #tpu.memory_space<vmem>> -> memref<1x128x128xf32, #tpu.memory_space<vmem>>
    %dma_wait3A_408 = tpu.memref_squeeze %dma_wait3A_407 : memref<1x128x128xf32, #tpu.memory_space<vmem>> -> memref<128x128xf32, #tpu.memory_space<vmem>>
    %dma_wait3A_409 = arith.constant 0 : i32
    %dma_wait3A_410 = tpu.memref_slice %arg5[%dma_wait3A_402, %dma_wait3A_409] : memref<200x128xi32, #tpu.memory_space<vmem>> -> memref<1x128xi32, #tpu.memory_space<vmem>>
    %dma_wait3A_411 = tpu.memref_squeeze %dma_wait3A_410 : memref<1x128xi32, #tpu.memory_space<vmem>> -> memref<128xi32, #tpu.memory_space<vmem>>
    %dma_wait3A_412 = arith.constant 0 : i32
    %dma_wait3A_413 = arith.constant 0 : i32
    %dma_wait3A_414 = tpu.memref_slice %arg3[%dma_wait3A_412, %dma_wait3A_413] : memref<1000000x128xf32, #tpu.memory_space<hbm>> -> memref<1000000x128xf32, #tpu.memory_space<hbm>>
    %dma_wait3A_415 = tpu.memref_slice %arg7[%dma_wait3A_404] : memref<5x!tpu.dma_semaphore, #tpu.memory_space<semaphore_mem>> -> memref<1x!tpu.dma_semaphore, #tpu.memory_space<semaphore_mem>>
    %dma_wait3A_416 = tpu.memref_squeeze %dma_wait3A_415 : memref<1x!tpu.dma_semaphore, #tpu.memory_space<semaphore_mem>> -> memref<!tpu.dma_semaphore, #tpu.memory_space<semaphore_mem>>
    tpu.wait_indirect_dma semaphore(%dma_wait3A_416 : memref<!tpu.dma_semaphore, #tpu.memory_space<semaphore_mem>>) src(%dma_wait3A_414 : memref<1000000x128xf32, #tpu.memory_space<hbm>>) dst(%dma_wait3A_408 : memref<128x128xf32, #tpu.memory_space<vmem>>)
    %add3A_417 = arith.constant 198 : i32
    %add3A_418 = arith.addi %mul3A_2, %add3A_417 : i32
    %shift_right_arithmetic3A_419 = arith.constant 7 : i32
    %shift_right_arithmetic3A_420 = arith.shrsi %add3A_418, %shift_right_arithmetic3A_419 : i32
    %shift_left3A_421 = arith.constant 7 : i32
    %shift_left3A_422 = arith.shli %add3A_418, %shift_left3A_421 : i32
    %and3A_423 = arith.constant 16383 : i32
    %and3A_424 = arith.andi %shift_left3A_422, %and3A_423 : i32
    %jit3A_425 = arith.constant 16384 : i32
    %div3A_426 = arith.divsi %and3A_424, %jit3A_425 : i32
    %sign3A_427 = arith.constant 0 : i32
    %sign3A_428 = arith.cmpi sgt, %and3A_424, %sign3A_427 : i32
    %sign3A_429 = arith.extui %sign3A_428 : i1 to i32
    %sign3A_430 = arith.constant 0 : i32
    %sign3A_431 = arith.cmpi slt, %and3A_424, %sign3A_430 : i32
    %sign3A_432 = arith.extui %sign3A_431 : i1 to i32
    %sign3A_433 = arith.subi %sign3A_429, %sign3A_432 : i32
    %sign3A_434 = arith.constant 0 : i32
    %sign3A_435 = arith.cmpi sgt, %jit3A_425, %sign3A_434 : i32
    %sign3A_436 = arith.extui %sign3A_435 : i1 to i32
    %sign3A_437 = arith.constant 0 : i32
    %sign3A_438 = arith.cmpi slt, %jit3A_425, %sign3A_437 : i32
    %sign3A_439 = arith.extui %sign3A_438 : i1 to i32
    %sign3A_440 = arith.subi %sign3A_436, %sign3A_439 : i32
    %ne3A_441 = arith.cmpi ne, %sign3A_433, %sign3A_440 : i32
    %rem3A_442 = arith.remsi %and3A_424, %jit3A_425 : i32
    %ne3A_443 = arith.constant 0 : i32
    %ne3A_444 = arith.cmpi ne, %rem3A_442, %ne3A_443 : i32
    %and3A_445 = arith.andi %ne3A_441, %ne3A_444 : i1
    %sub3A_446 = arith.constant 1 : i32
    %sub3A_447 = arith.subi %div3A_426, %sub3A_446 : i32
    %select_n3A_448 = arith.select %and3A_445, %sub3A_447, %div3A_426 : i32
    %jit3A_449 = arith.constant 8192 : i32
    %eq3A_450 = arith.constant 0 : i32
    %eq3A_451 = arith.cmpi eq, %jit3A_449, %eq3A_450 : i32
    %jit3A_452 = arith.constant 1 : i32
    %select_n3A_453 = arith.select %eq3A_451, %jit3A_452, %jit3A_449 : i32
    %rem3A_454 = arith.remsi %and3A_424, %select_n3A_453 : i32
    %ne3A_455 = arith.constant 0 : i32
    %ne3A_456 = arith.cmpi ne, %rem3A_454, %ne3A_455 : i32
    %lt3A_457 = arith.constant 0 : i32
    %lt3A_458 = arith.cmpi slt, %rem3A_454, %lt3A_457 : i32
    %lt3A_459 = arith.constant 0 : i32
    %lt3A_460 = arith.cmpi slt, %select_n3A_453, %lt3A_459 : i32
    %ne3A_461 = arith.xori %lt3A_458, %lt3A_460 : i1
    %and3A_462 = arith.andi %ne3A_461, %ne3A_456 : i1
    %add3A_463 = arith.addi %rem3A_454, %select_n3A_453 : i32
    %select_n3A_464 = arith.select %and3A_462, %add3A_463, %rem3A_454 : i32
    %jit3A_465 = arith.constant 8192 : i32
    %div3A_466 = arith.divsi %and3A_424, %jit3A_465 : i32
    %sign3A_467 = arith.constant 0 : i32
    %sign3A_468 = arith.cmpi sgt, %and3A_424, %sign3A_467 : i32
    %sign3A_469 = arith.extui %sign3A_468 : i1 to i32
    %sign3A_470 = arith.constant 0 : i32
    %sign3A_471 = arith.cmpi slt, %and3A_424, %sign3A_470 : i32
    %sign3A_472 = arith.extui %sign3A_471 : i1 to i32
    %sign3A_473 = arith.subi %sign3A_469, %sign3A_472 : i32
    %sign3A_474 = arith.constant 0 : i32
    %sign3A_475 = arith.cmpi sgt, %jit3A_465, %sign3A_474 : i32
    %sign3A_476 = arith.extui %sign3A_475 : i1 to i32
    %sign3A_477 = arith.constant 0 : i32
    %sign3A_478 = arith.cmpi slt, %jit3A_465, %sign3A_477 : i32
    %sign3A_479 = arith.extui %sign3A_478 : i1 to i32
    %sign3A_480 = arith.subi %sign3A_476, %sign3A_479 : i32
    %ne3A_481 = arith.cmpi ne, %sign3A_473, %sign3A_480 : i32
    %rem3A_482 = arith.remsi %and3A_424, %jit3A_465 : i32
    %ne3A_483 = arith.constant 0 : i32
    %ne3A_484 = arith.cmpi ne, %rem3A_482, %ne3A_483 : i32
    %and3A_485 = arith.andi %ne3A_481, %ne3A_484 : i1
    %sub3A_486 = arith.constant 1 : i32
    %sub3A_487 = arith.subi %div3A_466, %sub3A_486 : i32
    %select_n3A_488 = arith.select %and3A_485, %sub3A_487, %div3A_466 : i32
    %and3A_489 = arith.constant 1 : i32
    %and3A_490 = arith.andi %select_n3A_488, %and3A_489 : i32
    %mul3A_491 = arith.constant 8192 : i32
    %mul3A_492 = arith.muli %shift_right_arithmetic3A_420, %mul3A_491 : i32
    %mul3A_493 = arith.constant 8192 : i32
    %mul3A_494 = arith.muli %select_n3A_448, %mul3A_493 : i32
    %add3A_495 = arith.addi %mul3A_492, %mul3A_494 : i32
    %add3A_496 = arith.addi %add3A_495, %select_n3A_464 : i32
    %mul3A_497 = arith.constant 64 : i32
    %mul3A_498 = arith.muli %and3A_490, %mul3A_497 : i32
    %dma_start3A_499 = arith.constant 3 : i32
    %dma_start3A_500 = arith.constant 3 : i32
    %dma_start3A_501 = arith.constant 0 : i32
    %dma_start3A_502 = arith.constant 0 : i32
    %dma_start3A_503 = tpu.memref_slice %arg6[%dma_start3A_499, %dma_start3A_501, %dma_start3A_502] : memref<5x128x128xf32, #tpu.memory_space<vmem>> -> memref<1x128x64xf32, #tpu.memory_space<vmem>>
    %dma_start3A_504 = tpu.memref_squeeze %dma_start3A_503 : memref<1x128x64xf32, #tpu.memory_space<vmem>> -> memref<128x64xf32, #tpu.memory_space<vmem>>
    %dma_start3A_505 = tpu.memref_slice %arg4[%add3A_496, %mul3A_498] : memref<409600x128xf32, #tpu.memory_space<hbm>> -> memref<128x64xf32, #tpu.memory_space<hbm>>
    %dma_start3A_506 = tpu.memref_slice %arg8[%dma_start3A_500] : memref<5x!tpu.dma_semaphore, #tpu.memory_space<semaphore_mem>> -> memref<1x!tpu.dma_semaphore, #tpu.memory_space<semaphore_mem>>
    %dma_start3A_507 = tpu.memref_squeeze %dma_start3A_506 : memref<1x!tpu.dma_semaphore, #tpu.memory_space<semaphore_mem>> -> memref<!tpu.dma_semaphore, #tpu.memory_space<semaphore_mem>>
    %dma_start3A_508 = tpu.memref_slice %arg4[%add3A_496, %mul3A_498] : memref<409600x128xf32, #tpu.memory_space<hbm>> -> memref<128x64xf32, #tpu.memory_space<hbm>>
    %dma_start3A_509 = arith.constant 0 : i32
    %dma_start3A_510 = arith.constant 0 : i32
    %dma_start3A_511 = tpu.memref_slice %arg6[%dma_start3A_499, %dma_start3A_509, %dma_start3A_510] : memref<5x128x128xf32, #tpu.memory_space<vmem>> -> memref<1x128x64xf32, #tpu.memory_space<vmem>>
    %dma_start3A_512 = tpu.memref_squeeze %dma_start3A_511 : memref<1x128x64xf32, #tpu.memory_space<vmem>> -> memref<128x64xf32, #tpu.memory_space<vmem>>
    tpu.enqueue_dma source(%dma_start3A_512 : memref<128x64xf32, #tpu.memory_space<vmem>>) target(%dma_start3A_508 : memref<128x64xf32, #tpu.memory_space<hbm>>) target_semaphore(%dma_start3A_507 : memref<!tpu.dma_semaphore, #tpu.memory_space<semaphore_mem>>)
    %dma_wait3A_513 = arith.constant 199 : i32
    %dma_wait3A_514 = arith.constant 4 : i32
    %dma_wait3A_515 = arith.constant 4 : i32
    %dma_wait3A_516 = arith.constant 0 : i32
    %dma_wait3A_517 = arith.constant 0 : i32
    %dma_wait3A_518 = tpu.memref_slice %arg6[%dma_wait3A_514, %dma_wait3A_516, %dma_wait3A_517] : memref<5x128x128xf32, #tpu.memory_space<vmem>> -> memref<1x128x128xf32, #tpu.memory_space<vmem>>
    %dma_wait3A_519 = tpu.memref_squeeze %dma_wait3A_518 : memref<1x128x128xf32, #tpu.memory_space<vmem>> -> memref<128x128xf32, #tpu.memory_space<vmem>>
    %dma_wait3A_520 = arith.constant 0 : i32
    %dma_wait3A_521 = tpu.memref_slice %arg5[%dma_wait3A_513, %dma_wait3A_520] : memref<200x128xi32, #tpu.memory_space<vmem>> -> memref<1x128xi32, #tpu.memory_space<vmem>>
    %dma_wait3A_522 = tpu.memref_squeeze %dma_wait3A_521 : memref<1x128xi32, #tpu.memory_space<vmem>> -> memref<128xi32, #tpu.memory_space<vmem>>
    %dma_wait3A_523 = arith.constant 0 : i32
    %dma_wait3A_524 = arith.constant 0 : i32
    %dma_wait3A_525 = tpu.memref_slice %arg3[%dma_wait3A_523, %dma_wait3A_524] : memref<1000000x128xf32, #tpu.memory_space<hbm>> -> memref<1000000x128xf32, #tpu.memory_space<hbm>>
    %dma_wait3A_526 = tpu.memref_slice %arg7[%dma_wait3A_515] : memref<5x!tpu.dma_semaphore, #tpu.memory_space<semaphore_mem>> -> memref<1x!tpu.dma_semaphore, #tpu.memory_space<semaphore_mem>>
    %dma_wait3A_527 = tpu.memref_squeeze %dma_wait3A_526 : memref<1x!tpu.dma_semaphore, #tpu.memory_space<semaphore_mem>> -> memref<!tpu.dma_semaphore, #tpu.memory_space<semaphore_mem>>
    tpu.wait_indirect_dma semaphore(%dma_wait3A_527 : memref<!tpu.dma_semaphore, #tpu.memory_space<semaphore_mem>>) src(%dma_wait3A_525 : memref<1000000x128xf32, #tpu.memory_space<hbm>>) dst(%dma_wait3A_519 : memref<128x128xf32, #tpu.memory_space<vmem>>)
    %add3A_528 = arith.constant 199 : i32
    %add3A_529 = arith.addi %mul3A_2, %add3A_528 : i32
    %shift_right_arithmetic3A_530 = arith.constant 7 : i32
    %shift_right_arithmetic3A_531 = arith.shrsi %add3A_529, %shift_right_arithmetic3A_530 : i32
    %shift_left3A_532 = arith.constant 7 : i32
    %shift_left3A_533 = arith.shli %add3A_529, %shift_left3A_532 : i32
    %and3A_534 = arith.constant 16383 : i32
    %and3A_535 = arith.andi %shift_left3A_533, %and3A_534 : i32
    %jit3A_536 = arith.constant 16384 : i32
    %div3A_537 = arith.divsi %and3A_535, %jit3A_536 : i32
    %sign3A_538 = arith.constant 0 : i32
    %sign3A_539 = arith.cmpi sgt, %and3A_535, %sign3A_538 : i32
    %sign3A_540 = arith.extui %sign3A_539 : i1 to i32
    %sign3A_541 = arith.constant 0 : i32
    %sign3A_542 = arith.cmpi slt, %and3A_535, %sign3A_541 : i32
    %sign3A_543 = arith.extui %sign3A_542 : i1 to i32
    %sign3A_544 = arith.subi %sign3A_540, %sign3A_543 : i32
    %sign3A_545 = arith.constant 0 : i32
    %sign3A_546 = arith.cmpi sgt, %jit3A_536, %sign3A_545 : i32
    %sign3A_547 = arith.extui %sign3A_546 : i1 to i32
    %sign3A_548 = arith.constant 0 : i32
    %sign3A_549 = arith.cmpi slt, %jit3A_536, %sign3A_548 : i32
    %sign3A_550 = arith.extui %sign3A_549 : i1 to i32
    %sign3A_551 = arith.subi %sign3A_547, %sign3A_550 : i32
    %ne3A_552 = arith.cmpi ne, %sign3A_544, %sign3A_551 : i32
    %rem3A_553 = arith.remsi %and3A_535, %jit3A_536 : i32
    %ne3A_554 = arith.constant 0 : i32
    %ne3A_555 = arith.cmpi ne, %rem3A_553, %ne3A_554 : i32
    %and3A_556 = arith.andi %ne3A_552, %ne3A_555 : i1
    %sub3A_557 = arith.constant 1 : i32
    %sub3A_558 = arith.subi %div3A_537, %sub3A_557 : i32
    %select_n3A_559 = arith.select %and3A_556, %sub3A_558, %div3A_537 : i32
    %jit3A_560 = arith.constant 8192 : i32
    %eq3A_561 = arith.constant 0 : i32
    %eq3A_562 = arith.cmpi eq, %jit3A_560, %eq3A_561 : i32
    %jit3A_563 = arith.constant 1 : i32
    %select_n3A_564 = arith.select %eq3A_562, %jit3A_563, %jit3A_560 : i32
    %rem3A_565 = arith.remsi %and3A_535, %select_n3A_564 : i32
    %ne3A_566 = arith.constant 0 : i32
    %ne3A_567 = arith.cmpi ne, %rem3A_565, %ne3A_566 : i32
    %lt3A_568 = arith.constant 0 : i32
    %lt3A_569 = arith.cmpi slt, %rem3A_565, %lt3A_568 : i32
    %lt3A_570 = arith.constant 0 : i32
    %lt3A_571 = arith.cmpi slt, %select_n3A_564, %lt3A_570 : i32
    %ne3A_572 = arith.xori %lt3A_569, %lt3A_571 : i1
    %and3A_573 = arith.andi %ne3A_572, %ne3A_567 : i1
    %add3A_574 = arith.addi %rem3A_565, %select_n3A_564 : i32
    %select_n3A_575 = arith.select %and3A_573, %add3A_574, %rem3A_565 : i32
    %jit3A_576 = arith.constant 8192 : i32
    %div3A_577 = arith.divsi %and3A_535, %jit3A_576 : i32
    %sign3A_578 = arith.constant 0 : i32
    %sign3A_579 = arith.cmpi sgt, %and3A_535, %sign3A_578 : i32
    %sign3A_580 = arith.extui %sign3A_579 : i1 to i32
    %sign3A_581 = arith.constant 0 : i32
    %sign3A_582 = arith.cmpi slt, %and3A_535, %sign3A_581 : i32
    %sign3A_583 = arith.extui %sign3A_582 : i1 to i32
    %sign3A_584 = arith.subi %sign3A_580, %sign3A_583 : i32
    %sign3A_585 = arith.constant 0 : i32
    %sign3A_586 = arith.cmpi sgt, %jit3A_576, %sign3A_585 : i32
    %sign3A_587 = arith.extui %sign3A_586 : i1 to i32
    %sign3A_588 = arith.constant 0 : i32
    %sign3A_589 = arith.cmpi slt, %jit3A_576, %sign3A_588 : i32
    %sign3A_590 = arith.extui %sign3A_589 : i1 to i32
    %sign3A_591 = arith.subi %sign3A_587, %sign3A_590 : i32
    %ne3A_592 = arith.cmpi ne, %sign3A_584, %sign3A_591 : i32
    %rem3A_593 = arith.remsi %and3A_535, %jit3A_576 : i32
    %ne3A_594 = arith.constant 0 : i32
    %ne3A_595 = arith.cmpi ne, %rem3A_593, %ne3A_594 : i32
    %and3A_596 = arith.andi %ne3A_592, %ne3A_595 : i1
    %sub3A_597 = arith.constant 1 : i32
    %sub3A_598 = arith.subi %div3A_577, %sub3A_597 : i32
    %select_n3A_599 = arith.select %and3A_596, %sub3A_598, %div3A_577 : i32
    %and3A_600 = arith.constant 1 : i32
    %and3A_601 = arith.andi %select_n3A_599, %and3A_600 : i32
    %mul3A_602 = arith.constant 8192 : i32
    %mul3A_603 = arith.muli %shift_right_arithmetic3A_531, %mul3A_602 : i32
    %mul3A_604 = arith.constant 8192 : i32
    %mul3A_605 = arith.muli %select_n3A_559, %mul3A_604 : i32
    %add3A_606 = arith.addi %mul3A_603, %mul3A_605 : i32
    %add3A_607 = arith.addi %add3A_606, %select_n3A_575 : i32
    %mul3A_608 = arith.constant 64 : i32
    %mul3A_609 = arith.muli %and3A_601, %mul3A_608 : i32
    %dma_start3A_610 = arith.constant 4 : i32
    %dma_start3A_611 = arith.constant 4 : i32
    %dma_start3A_612 = arith.constant 0 : i32
    %dma_start3A_613 = arith.constant 0 : i32
    %dma_start3A_614 = tpu.memref_slice %arg6[%dma_start3A_610, %dma_start3A_612, %dma_start3A_613] : memref<5x128x128xf32, #tpu.memory_space<vmem>> -> memref<1x128x64xf32, #tpu.memory_space<vmem>>
    %dma_start3A_615 = tpu.memref_squeeze %dma_start3A_614 : memref<1x128x64xf32, #tpu.memory_space<vmem>> -> memref<128x64xf32, #tpu.memory_space<vmem>>
    %dma_start3A_616 = tpu.memref_slice %arg4[%add3A_607, %mul3A_609] : memref<409600x128xf32, #tpu.memory_space<hbm>> -> memref<128x64xf32, #tpu.memory_space<hbm>>
    %dma_start3A_617 = tpu.memref_slice %arg8[%dma_start3A_611] : memref<5x!tpu.dma_semaphore, #tpu.memory_space<semaphore_mem>> -> memref<1x!tpu.dma_semaphore, #tpu.memory_space<semaphore_mem>>
    %dma_start3A_618 = tpu.memref_squeeze %dma_start3A_617 : memref<1x!tpu.dma_semaphore, #tpu.memory_space<semaphore_mem>> -> memref<!tpu.dma_semaphore, #tpu.memory_space<semaphore_mem>>
    %dma_start3A_619 = tpu.memref_slice %arg4[%add3A_607, %mul3A_609] : memref<409600x128xf32, #tpu.memory_space<hbm>> -> memref<128x64xf32, #tpu.memory_space<hbm>>
    %dma_start3A_620 = arith.constant 0 : i32
    %dma_start3A_621 = arith.constant 0 : i32
    %dma_start3A_622 = tpu.memref_slice %arg6[%dma_start3A_610, %dma_start3A_620, %dma_start3A_621] : memref<5x128x128xf32, #tpu.memory_space<vmem>> -> memref<1x128x64xf32, #tpu.memory_space<vmem>>
    %dma_start3A_623 = tpu.memref_squeeze %dma_start3A_622 : memref<1x128x64xf32, #tpu.memory_space<vmem>> -> memref<128x64xf32, #tpu.memory_space<vmem>>
    tpu.enqueue_dma source(%dma_start3A_623 : memref<128x64xf32, #tpu.memory_space<vmem>>) target(%dma_start3A_619 : memref<128x64xf32, #tpu.memory_space<hbm>>) target_semaphore(%dma_start3A_618 : memref<!tpu.dma_semaphore, #tpu.memory_space<semaphore_mem>>)
    %dma_wait3A_624 = arith.constant 0 : i32
    %dma_wait3A_625 = arith.constant 0 : i32
    %dma_wait3A_626 = arith.constant 0 : i32
    %dma_wait3A_627 = arith.constant 0 : i32
    %dma_wait3A_628 = tpu.memref_slice %arg6[%dma_wait3A_624, %dma_wait3A_626, %dma_wait3A_627] : memref<5x128x128xf32, #tpu.memory_space<vmem>> -> memref<1x128x64xf32, #tpu.memory_space<vmem>>
    %dma_wait3A_629 = tpu.memref_squeeze %dma_wait3A_628 : memref<1x128x64xf32, #tpu.memory_space<vmem>> -> memref<128x64xf32, #tpu.memory_space<vmem>>
    %dma_wait3A_630 = arith.constant 0 : i32
    %dma_wait3A_631 = arith.constant 0 : i32
    %dma_wait3A_632 = tpu.memref_slice %arg4[%dma_wait3A_630, %dma_wait3A_631] : memref<409600x128xf32, #tpu.memory_space<hbm>> -> memref<128x64xf32, #tpu.memory_space<hbm>>
    %dma_wait3A_633 = tpu.memref_slice %arg8[%dma_wait3A_625] : memref<5x!tpu.dma_semaphore, #tpu.memory_space<semaphore_mem>> -> memref<1x!tpu.dma_semaphore, #tpu.memory_space<semaphore_mem>>
    %dma_wait3A_634 = tpu.memref_squeeze %dma_wait3A_633 : memref<1x!tpu.dma_semaphore, #tpu.memory_space<semaphore_mem>> -> memref<!tpu.dma_semaphore, #tpu.memory_space<semaphore_mem>>
    %dma_wait3A_635 = arith.constant 0 : i32
    %dma_wait3A_636 = arith.constant 0 : i32
    %dma_wait3A_637 = tpu.memref_slice %arg4[%dma_wait3A_635, %dma_wait3A_636] : memref<409600x128xf32, #tpu.memory_space<hbm>> -> memref<128x64xf32, #tpu.memory_space<hbm>>
    %dma_wait3A_638 = arith.constant 0 : i32
    %dma_wait3A_639 = arith.constant 0 : i32
    %dma_wait3A_640 = tpu.memref_slice %arg6[%dma_wait3A_624, %dma_wait3A_638, %dma_wait3A_639] : memref<5x128x128xf32, #tpu.memory_space<vmem>> -> memref<1x128x64xf32, #tpu.memory_space<vmem>>
    %dma_wait3A_641 = tpu.memref_squeeze %dma_wait3A_640 : memref<1x128x64xf32, #tpu.memory_space<vmem>> -> memref<128x64xf32, #tpu.memory_space<vmem>>
    tpu.wait_dma2 semaphore(%dma_wait3A_634 : memref<!tpu.dma_semaphore, #tpu.memory_space<semaphore_mem>>) src(%dma_wait3A_641 : memref<128x64xf32, #tpu.memory_space<vmem>>) dst(%dma_wait3A_637 : memref<128x64xf32, #tpu.memory_space<hbm>>)
    %dma_wait3A_642 = arith.constant 1 : i32
    %dma_wait3A_643 = arith.constant 1 : i32
    %dma_wait3A_644 = arith.constant 0 : i32
    %dma_wait3A_645 = arith.constant 0 : i32
    %dma_wait3A_646 = tpu.memref_slice %arg6[%dma_wait3A_642, %dma_wait3A_644, %dma_wait3A_645] : memref<5x128x128xf32, #tpu.memory_space<vmem>> -> memref<1x128x64xf32, #tpu.memory_space<vmem>>
    %dma_wait3A_647 = tpu.memref_squeeze %dma_wait3A_646 : memref<1x128x64xf32, #tpu.memory_space<vmem>> -> memref<128x64xf32, #tpu.memory_space<vmem>>
    %dma_wait3A_648 = arith.constant 0 : i32
    %dma_wait3A_649 = arith.constant 0 : i32
    %dma_wait3A_650 = tpu.memref_slice %arg4[%dma_wait3A_648, %dma_wait3A_649] : memref<409600x128xf32, #tpu.memory_space<hbm>> -> memref<128x64xf32, #tpu.memory_space<hbm>>
    %dma_wait3A_651 = tpu.memref_slice %arg8[%dma_wait3A_643] : memref<5x!tpu.dma_semaphore, #tpu.memory_space<semaphore_mem>> -> memref<1x!tpu.dma_semaphore, #tpu.memory_space<semaphore_mem>>
    %dma_wait3A_652 = tpu.memref_squeeze %dma_wait3A_651 : memref<1x!tpu.dma_semaphore, #tpu.memory_space<semaphore_mem>> -> memref<!tpu.dma_semaphore, #tpu.memory_space<semaphore_mem>>
    %dma_wait3A_653 = arith.constant 0 : i32
    %dma_wait3A_654 = arith.constant 0 : i32
    %dma_wait3A_655 = tpu.memref_slice %arg4[%dma_wait3A_653, %dma_wait3A_654] : memref<409600x128xf32, #tpu.memory_space<hbm>> -> memref<128x64xf32, #tpu.memory_space<hbm>>
    %dma_wait3A_656 = arith.constant 0 : i32
    %dma_wait3A_657 = arith.constant 0 : i32
    %dma_wait3A_658 = tpu.memref_slice %arg6[%dma_wait3A_642, %dma_wait3A_656, %dma_wait3A_657] : memref<5x128x128xf32, #tpu.memory_space<vmem>> -> memref<1x128x64xf32, #tpu.memory_space<vmem>>
    %dma_wait3A_659 = tpu.memref_squeeze %dma_wait3A_658 : memref<1x128x64xf32, #tpu.memory_space<vmem>> -> memref<128x64xf32, #tpu.memory_space<vmem>>
    tpu.wait_dma2 semaphore(%dma_wait3A_652 : memref<!tpu.dma_semaphore, #tpu.memory_space<semaphore_mem>>) src(%dma_wait3A_659 : memref<128x64xf32, #tpu.memory_space<vmem>>) dst(%dma_wait3A_655 : memref<128x64xf32, #tpu.memory_space<hbm>>)
    %dma_wait3A_660 = arith.constant 2 : i32
    %dma_wait3A_661 = arith.constant 2 : i32
    %dma_wait3A_662 = arith.constant 0 : i32
    %dma_wait3A_663 = arith.constant 0 : i32
    %dma_wait3A_664 = tpu.memref_slice %arg6[%dma_wait3A_660, %dma_wait3A_662, %dma_wait3A_663] : memref<5x128x128xf32, #tpu.memory_space<vmem>> -> memref<1x128x64xf32, #tpu.memory_space<vmem>>
    %dma_wait3A_665 = tpu.memref_squeeze %dma_wait3A_664 : memref<1x128x64xf32, #tpu.memory_space<vmem>> -> memref<128x64xf32, #tpu.memory_space<vmem>>
    %dma_wait3A_666 = arith.constant 0 : i32
    %dma_wait3A_667 = arith.constant 0 : i32
    %dma_wait3A_668 = tpu.memref_slice %arg4[%dma_wait3A_666, %dma_wait3A_667] : memref<409600x128xf32, #tpu.memory_space<hbm>> -> memref<128x64xf32, #tpu.memory_space<hbm>>
    %dma_wait3A_669 = tpu.memref_slice %arg8[%dma_wait3A_661] : memref<5x!tpu.dma_semaphore, #tpu.memory_space<semaphore_mem>> -> memref<1x!tpu.dma_semaphore, #tpu.memory_space<semaphore_mem>>
    %dma_wait3A_670 = tpu.memref_squeeze %dma_wait3A_669 : memref<1x!tpu.dma_semaphore, #tpu.memory_space<semaphore_mem>> -> memref<!tpu.dma_semaphore, #tpu.memory_space<semaphore_mem>>
    %dma_wait3A_671 = arith.constant 0 : i32
    %dma_wait3A_672 = arith.constant 0 : i32
    %dma_wait3A_673 = tpu.memref_slice %arg4[%dma_wait3A_671, %dma_wait3A_672] : memref<409600x128xf32, #tpu.memory_space<hbm>> -> memref<128x64xf32, #tpu.memory_space<hbm>>
    %dma_wait3A_674 = arith.constant 0 : i32
    %dma_wait3A_675 = arith.constant 0 : i32
    %dma_wait3A_676 = tpu.memref_slice %arg6[%dma_wait3A_660, %dma_wait3A_674, %dma_wait3A_675] : memref<5x128x128xf32, #tpu.memory_space<vmem>> -> memref<1x128x64xf32, #tpu.memory_space<vmem>>
    %dma_wait3A_677 = tpu.memref_squeeze %dma_wait3A_676 : memref<1x128x64xf32, #tpu.memory_space<vmem>> -> memref<128x64xf32, #tpu.memory_space<vmem>>
    tpu.wait_dma2 semaphore(%dma_wait3A_670 : memref<!tpu.dma_semaphore, #tpu.memory_space<semaphore_mem>>) src(%dma_wait3A_677 : memref<128x64xf32, #tpu.memory_space<vmem>>) dst(%dma_wait3A_673 : memref<128x64xf32, #tpu.memory_space<hbm>>)
    %dma_wait3A_678 = arith.constant 3 : i32
    %dma_wait3A_679 = arith.constant 3 : i32
    %dma_wait3A_680 = arith.constant 0 : i32
    %dma_wait3A_681 = arith.constant 0 : i32
    %dma_wait3A_682 = tpu.memref_slice %arg6[%dma_wait3A_678, %dma_wait3A_680, %dma_wait3A_681] : memref<5x128x128xf32, #tpu.memory_space<vmem>> -> memref<1x128x64xf32, #tpu.memory_space<vmem>>
    %dma_wait3A_683 = tpu.memref_squeeze %dma_wait3A_682 : memref<1x128x64xf32, #tpu.memory_space<vmem>> -> memref<128x64xf32, #tpu.memory_space<vmem>>
    %dma_wait3A_684 = arith.constant 0 : i32
    %dma_wait3A_685 = arith.constant 0 : i32
    %dma_wait3A_686 = tpu.memref_slice %arg4[%dma_wait3A_684, %dma_wait3A_685] : memref<409600x128xf32, #tpu.memory_space<hbm>> -> memref<128x64xf32, #tpu.memory_space<hbm>>
    %dma_wait3A_687 = tpu.memref_slice %arg8[%dma_wait3A_679] : memref<5x!tpu.dma_semaphore, #tpu.memory_space<semaphore_mem>> -> memref<1x!tpu.dma_semaphore, #tpu.memory_space<semaphore_mem>>
    %dma_wait3A_688 = tpu.memref_squeeze %dma_wait3A_687 : memref<1x!tpu.dma_semaphore, #tpu.memory_space<semaphore_mem>> -> memref<!tpu.dma_semaphore, #tpu.memory_space<semaphore_mem>>
    %dma_wait3A_689 = arith.constant 0 : i32
    %dma_wait3A_690 = arith.constant 0 : i32
    %dma_wait3A_691 = tpu.memref_slice %arg4[%dma_wait3A_689, %dma_wait3A_690] : memref<409600x128xf32, #tpu.memory_space<hbm>> -> memref<128x64xf32, #tpu.memory_space<hbm>>
    %dma_wait3A_692 = arith.constant 0 : i32
    %dma_wait3A_693 = arith.constant 0 : i32
    %dma_wait3A_694 = tpu.memref_slice %arg6[%dma_wait3A_678, %dma_wait3A_692, %dma_wait3A_693] : memref<5x128x128xf32, #tpu.memory_space<vmem>> -> memref<1x128x64xf32, #tpu.memory_space<vmem>>
    %dma_wait3A_695 = tpu.memref_squeeze %dma_wait3A_694 : memref<1x128x64xf32, #tpu.memory_space<vmem>> -> memref<128x64xf32, #tpu.memory_space<vmem>>
    tpu.wait_dma2 semaphore(%dma_wait3A_688 : memref<!tpu.dma_semaphore, #tpu.memory_space<semaphore_mem>>) src(%dma_wait3A_695 : memref<128x64xf32, #tpu.memory_space<vmem>>) dst(%dma_wait3A_691 : memref<128x64xf32, #tpu.memory_space<hbm>>)
    %dma_wait3A_696 = arith.constant 4 : i32
    %dma_wait3A_697 = arith.constant 4 : i32
    %dma_wait3A_698 = arith.constant 0 : i32
    %dma_wait3A_699 = arith.constant 0 : i32
    %dma_wait3A_700 = tpu.memref_slice %arg6[%dma_wait3A_696, %dma_wait3A_698, %dma_wait3A_699] : memref<5x128x128xf32, #tpu.memory_space<vmem>> -> memref<1x128x64xf32, #tpu.memory_space<vmem>>
    %dma_wait3A_701 = tpu.memref_squeeze %dma_wait3A_700 : memref<1x128x64xf32, #tpu.memory_space<vmem>> -> memref<128x64xf32, #tpu.memory_space<vmem>>
    %dma_wait3A_702 = arith.constant 0 : i32
    %dma_wait3A_703 = arith.constant 0 : i32
    %dma_wait3A_704 = tpu.memref_slice %arg4[%dma_wait3A_702, %dma_wait3A_703] : memref<409600x128xf32, #tpu.memory_space<hbm>> -> memref<128x64xf32, #tpu.memory_space<hbm>>
    %dma_wait3A_705 = tpu.memref_slice %arg8[%dma_wait3A_697] : memref<5x!tpu.dma_semaphore, #tpu.memory_space<semaphore_mem>> -> memref<1x!tpu.dma_semaphore, #tpu.memory_space<semaphore_mem>>
    %dma_wait3A_706 = tpu.memref_squeeze %dma_wait3A_705 : memref<1x!tpu.dma_semaphore, #tpu.memory_space<semaphore_mem>> -> memref<!tpu.dma_semaphore, #tpu.memory_space<semaphore_mem>>
    %dma_wait3A_707 = arith.constant 0 : i32
    %dma_wait3A_708 = arith.constant 0 : i32
    %dma_wait3A_709 = tpu.memref_slice %arg4[%dma_wait3A_707, %dma_wait3A_708] : memref<409600x128xf32, #tpu.memory_space<hbm>> -> memref<128x64xf32, #tpu.memory_space<hbm>>
    %dma_wait3A_710 = arith.constant 0 : i32
    %dma_wait3A_711 = arith.constant 0 : i32
    %dma_wait3A_712 = tpu.memref_slice %arg6[%dma_wait3A_696, %dma_wait3A_710, %dma_wait3A_711] : memref<5x128x128xf32, #tpu.memory_space<vmem>> -> memref<1x128x64xf32, #tpu.memory_space<vmem>>
    %dma_wait3A_713 = tpu.memref_squeeze %dma_wait3A_712 : memref<1x128x64xf32, #tpu.memory_space<vmem>> -> memref<128x64xf32, #tpu.memory_space<vmem>>
    tpu.wait_dma2 semaphore(%dma_wait3A_706 : memref<!tpu.dma_semaphore, #tpu.memory_space<semaphore_mem>>) src(%dma_wait3A_713 : memref<128x64xf32, #tpu.memory_space<vmem>>) dst(%dma_wait3A_709 : memref<128x64xf32, #tpu.memory_space<hbm>>)
    return
  }
}

module attributes {stable_mosaic.version = 14 : i64} {
  func.func @body(%arg0: i32, %arg1: memref<64x16384xf32, #tpu.memory_space<vmem>>, %arg2: memref<16384x128xf32, #tpu.memory_space<vmem>>) attributes {dimension_semantics = [#tpu.dimension_semantics<arbitrary>], iteration_bounds = array<i64: 62>, scalar_prefetch = 0 : i64, scratch_operands = 0 : i64, tpu.core_type = #tpu.core_type<tc>, window_params = [{transform_indices = @transform_0, window_bounds = array<i64: 64, 16384>}, {transform_indices = @transform_1, window_bounds = array<i64: 16384, 128>}]} {
    %get3A = arith.constant 0 : index
    %get3A_0 = arith.constant 0 : index
    %get3A_1 = vector.load %arg1[%get3A, %get3A_0] : memref<64x16384xf32, #tpu.memory_space<vmem>>, vector<64x16384xf32>
    %transpose3A = tpu.transpose %get3A_1, [1, 0] : vector<64x16384xf32> -> vector<16384x64xf32>
    %broadcast_in_dim3A = arith.constant 0.000000e+00 : f32
    %broadcast_in_dim3A_2 = vector.broadcast %broadcast_in_dim3A : f32 to vector<16384x64xf32>
    %concatenate3A = tpu.concatenate %transpose3A, %broadcast_in_dim3A_2 in 1 : vector<16384x64xf32>, vector<16384x64xf32> -> vector<16384x128xf32>
    %swap3A = arith.constant 0 : index
    %swap3A_3 = arith.constant 0 : index
    %swap3A_4 = vector.load %arg2[%swap3A, %swap3A_3] : memref<16384x128xf32, #tpu.memory_space<vmem>>, vector<16384x128xf32>
    tpu.vector_store %arg2[%swap3A, %swap3A_3], %concatenate3A {strides = array<i32>} : memref<16384x128xf32, #tpu.memory_space<vmem>>, vector<16384x128xf32>,
    return
  }
  func.func @transform_0(%arg0: i32) -> (i32, i32) {
    %c0_i32 = arith.constant 0 : i32
    %c0_i32_0 = arith.constant 0 : i32
    return %c0_i32, %arg0 : i32, i32
  }
  func.func @transform_1(%arg0: i32) -> (i32, i32) {
    %c0_i32 = arith.constant 0 : i32
    %c0_i32_0 = arith.constant 0 : i32
    return %arg0, %c0_i32 : i32, i32
  }
}

module attributes {stable_mosaic.version = 14 : i64} {
  func.func @body(%arg0: i32, %arg1: i32, %arg2: memref<1x8192x128xf32, #tpu.memory_space<vmem>>, %arg3: memref<1x64x16384xf32, #tpu.memory_space<vmem>>) attributes {dimension_semantics = [#tpu.dimension_semantics<arbitrary>, #tpu.dimension_semantics<arbitrary>], iteration_bounds = array<i64: 50, 1>, scalar_prefetch = 0 : i64, scratch_operands = 0 : i64, tpu.core_type = #tpu.core_type<tc>, window_params = [{transform_indices = @transform_0, window_bounds = array<i64: 1, 8192, 128>}, {transform_indices = @transform_1, window_bounds = array<i64: 1, 64, 16384>}]} {
    %get3A = arith.constant 0 : index
    %get3A_0 = arith.constant 0 : index
    %get3A_1 = arith.constant 0 : index
    %get3A_2 = vector.load %arg2[%get3A, %get3A_0, %get3A_1] : memref<1x8192x128xf32, #tpu.memory_space<vmem>>, vector<1x8192x128xf32>
    %get3A_3 = vector.shape_cast %get3A_2 : vector<1x8192x128xf32> to vector<8192x128xf32>
    %slice3A = vector.extract_strided_slice %get3A_3 {offsets = [0, 0], sizes = [8192, 64], strides = [1, 1]} : vector<8192x128xf32> to vector<8192x64xf32>
    %transpose3A = tpu.transpose %slice3A, [1, 0] : vector<8192x64xf32> -> vector<64x8192xf32>
    %slice3A_4 = vector.extract_strided_slice %get3A_3 {offsets = [0, 64], sizes = [8192, 64], strides = [1, 1]} : vector<8192x128xf32> to vector<8192x64xf32>
    %transpose3A_5 = tpu.transpose %slice3A_4, [1, 0] : vector<8192x64xf32> -> vector<64x8192xf32>
    %concatenate3A = tpu.concatenate %transpose3A, %transpose3A_5 in 1 : vector<64x8192xf32>, vector<64x8192xf32> -> vector<64x16384xf32>
    %swap3A = arith.constant 0 : index
    %swap3A_6 = arith.constant 0 : index
    %swap3A_7 = arith.constant 0 : index
    %swap3A_8 = vector.load %arg3[%swap3A, %swap3A_6, %swap3A_7] : memref<1x64x16384xf32, #tpu.memory_space<vmem>>, vector<1x64x16384xf32>
    %swap3A_9 = vector.shape_cast %swap3A_8 : vector<1x64x16384xf32> to vector<64x16384xf32>
    %swap3A_10 = vector.shape_cast %concatenate3A : vector<64x16384xf32> to vector<1x64x16384xf32>
    tpu.vector_store %arg3[%swap3A, %swap3A_6, %swap3A_7], %swap3A_10 {strides = array<i32>} : memref<1x64x16384xf32, #tpu.memory_space<vmem>>, vector<1x64x16384xf32>,
    return
  }
  func.func @transform_0(%arg0: i32, %arg1: i32) -> (i32, i32, i32) {
    %c0_i32 = arith.constant 0 : i32
    %c0_i32_0 = arith.constant 0 : i32
    return %arg0, %arg1, %c0_i32 : i32, i32, i32
  }
  func.func @transform_1(%arg0: i32, %arg1: i32) -> (i32, i32, i32) {
    %c0_i32 = arith.constant 0 : i32
    %c0_i32_0 = arith.constant 0 : i32
    return %arg0, %c0_i32, %arg1 : i32, i32, i32
  }
}

</mosaic_0001>

<sc_bundles>
// kernel: kernel.5.cloned.1.call-start
scs
__scs_entry_jumppad:
0x0: {  	(pc) =	sbr.rel $0x88, $3  }
0x1: {  	(tag) =	ssettag $0x0;
	lr =	simm.s32 $0x1  }
0x2: {  	[smem:$0x3F9F] =	sst lr;
	_ =	strace $0xD0000000  }
0x3: {  	_ = 	snop  }
0x4: {  	_ = 	snop  }
0x5: {  	_ = 	snop  }
0x6: {  	_ = 	snop  }
0x7: {  	_ = 	snop  }
__scs_overlays_trampoline_lowered:
0x8: {  	[smem:$0x3FAE] =	sst s0  }
0x9: {  	[smem:$0x3FAF] =	sst s1  }
0xa: {  	[smem:$0x3FB0] =	sst s2  }
0xb: {  	[smem:$0x3FB1] =	sst s3  }
0xc: {  	[smem:$0x3FB2] =	sst s4  }
0xd: {  	[smem:$0x3FB3] =	sst s5  }
0xe: {  	[smem:$0x3FB4] =	sst s6  }
0xf: {  	[smem:$0x3FB5] =	sst s7  }
0x10: {  	[smem:$0x3FB6] =	sst s8  }
0x11: {  	[smem:$0x3FB7] =	sst s9;
	s0 =	simm.s32 @!p0 $0x0  }
0x12: {  	s1 =	sld [smem:$0x3F9D];
	s0 =	simm.s32 @p0 $0x1  }
0x13: {  	[smem:$0x3FB8] =	sst s0;
	s0 =	simm.s32 @!p1 $0x0  }
0x14: {  	s2 =	sld [smem:$0x3F9C];
	s0 =	simm.s32 @p1 $0x1  }
0x15: {  	[smem:$0x3FB9] =	sst s0;
	s0 =	simm.s32 @!p2 $0x0  }
0x16: {  	s3 =	sld [smem:$0x3FDB];
	s0 =	simm.s32 @p2 $0x1  }
0x17: {  	s4 =	simm.s32 $0x1BF5;
	[smem:$0x3FBB] =	sst s0  }
0x18: {  	s0 =	sld [smem:$0x3F9E];
	_ =	swait.ge [sflag:s4], $0x0  }
0x19: {  	s7 =	sld [smem:$0x3F9F]  }
0x1a: {  	s8 =	sadd.s32 $0xFFFFE003, lr  }
0x1b: {  	s9 =	sadd.s32 $0xFFFFFEF7, lr;
	s5 =	simm.s32 $0xFFFFFFFF;
	p2 =	slt.u32 s8, $0xFFFFF086  }
0x1c: {  	p1 =	slt.u32 s9, $0xF7A;
	s5 =	simm.s32 @!p2 $0x0  }
0x1d: {  	s5 =	simm.s32 @p1 $0x1;
	p0 =	seq.s32 s7, s2  }
0x1e: {  	s7 =	smul.u32 @!p0 $0xF7A, s2;
	p2 =	seq.s32 @!p0 s5, $0x0  }
0x1f: {  	s9 =	smul.u32 $0xF7A, s1;
	s8 =	simm.s32 @!p0 $0x1BF5;
	p2 =	por !p2, p0  }
0x20: {  	[sflag:s8] =	ssyncset.s32 @!p0 $0xFFFFF086;
	s6 =	sadd.s32 @!p0 s3, s7;
	s7 =	simm.s32 @!p0 $0x108  }
0x21: {  	s3 =	sadd.s32 s3, s9;
	s6 =	sadd.s32 @!p0 $0x88, s6;
	s7 =	simm.s32 @p2 $0x1082  }
0x22: {  	[simem:s7], [sflag:s8] =	dma.local @!p0 [hbm:s6], $0xF7A  }
0x23: {  	s9 =	sor.u32 $0xD0000000, s2;
	s6 =	simm.s32 $0x108;
	_ =	swait.ge @!p0 [sflag:s8], $0x0  }
0x24: {  	s3 =	sadd.s32 $0x88, s3;
	s6 =	simm.s32 @!p1 $0x1082;
	[sflag:s4] =	ssyncset.s32 $0xFFFFF086  }
0x25: {  	[simem:s6], [sflag:s4] =	dma.local [hbm:s3], $0xF7A  }
0x26: {  	[smem:$0x3F9F] =	sst s1;
	(tag) =	ssettag s2;
	_ =	strace s9  }
0x27: {  	s1 =	sld [smem:$0x3FAF]  }
0x28: {  	s2 =	sld [smem:$0x3FB0]  }
0x29: {  	s4 =	sld [smem:$0x3FB2]  }
0x2a: {  	p0 =	seq.s32 s5, $0x0;
	s5 =	sld [smem:$0x3FB3]  }
0x2b: {  	s6 =	sld [smem:$0x3FB4]  }
0x2c: {  	s7 =	sld [smem:$0x3FB5]  }
0x2d: {  	s3 =	simm.s32 $0x108;
	s8 =	sld [smem:$0x3FB6]  }
0x2e: {  	s3 =	simm.s32 @!p0 $0x1082;
	s9 =	sld [smem:$0x3FB7]  }
0x2f: {  	lr =	sadd.s32 s0, s3;
	s0 =	sld [smem:$0x3FAE]  }
0x30: {  	s3 =	sld [smem:$0x3FB1]  }
0x31: {  	[smem:$0x3FBA] =	sst s10  }
0x32: {  	s10 =	sld [smem:$0x3FB8];
	_ =	sdelay $0x3  }
0x33: {  	p0 =	seq.s32 s10, $0x1;
	s10 =	sld [smem:$0x3FBA];
	_ =	sdelay $0x3  }
0x34: {  	[smem:$0x3FBA] =	sst s10  }
0x35: {  	s10 =	sld [smem:$0x3FB9];
	_ =	sdelay $0x3  }
0x36: {  	p1 =	seq.s32 s10, $0x1;
	s10 =	sld [smem:$0x3FBA];
	_ =	sdelay $0x3  }
0x37: {  	[smem:$0x3FBA] =	sst s10  }
0x38: {  	s10 =	sld [smem:$0x3FBB]  }
0x39: {  	_ = 	snop;
	(pc) =	sbr.ind lr, $3  }
0x3a: {  	_ = 	snop  }
0x3b: {  	_ = 	snop  }
0x3c: {  	p2 =	seq.s32 s10, $0x1;
	s10 =	sld [smem:$0x3FBA]  }
0x3d: {  	_ =	shalt  }
0x3e: {  	_ =	shalt  }
0x3f: {  	_ =	shalt  }
0x40: {  	_ =	shalt  }
0x41: {  	_ =	shalt  }
0x42: {  	_ =	shalt  }
0x43: {  	_ =	shalt  }
0x44: {  	_ =	shalt  }
0x45: {  	_ =	shalt  }
0x46: {  	_ =	shalt  }
0x47: {  	_ =	shalt  }
0x48: {  	_ =	shalt  }
0x49: {  	_ =	shalt  }
0x4a: {  	_ =	shalt  }
0x4b: {  	_ =	shalt  }
0x4c: {  	_ =	shalt  }
0x4d: {  	_ =	shalt  }
0x4e: {  	_ =	shalt  }
0x4f: {  	_ =	shalt  }
0x50: {  	_ =	shalt  }
0x51: {  	_ =	shalt  }
0x52: {  	_ =	shalt  }
0x53: {  	_ =	shalt  }
0x54: {  	_ =	shalt  }
0x55: {  	_ =	shalt  }
0x56: {  	_ =	shalt  }
0x57: {  	_ =	shalt  }
0x58: {  	_ =	shalt  }
0x59: {  	_ =	shalt  }
0x5a: {  	_ =	shalt  }
0x5b: {  	_ =	shalt  }
0x5c: {  	_ =	shalt  }
0x5d: {  	_ =	shalt  }
0x5e: {  	_ =	shalt  }
0x5f: {  	_ =	shalt  }
0x60: {  	_ =	shalt  }
0x61: {  	_ =	shalt  }
0x62: {  	_ =	shalt  }
0x63: {  	_ =	shalt  }
0x64: {  	_ =	shalt  }
0x65: {  	_ =	shalt  }
0x66: {  	_ =	shalt  }
0x67: {  	_ =	shalt  }
0x68: {  	_ =	shalt  }
0x69: {  	_ =	shalt  }
0x6a: {  	_ =	shalt  }
0x6b: {  	_ =	shalt  }
0x6c: {  	_ =	shalt  }
0x6d: {  	_ =	shalt  }
0x6e: {  	_ =	shalt  }
0x6f: {  	_ =	shalt  }
0x70: {  	_ =	shalt  }
0x71: {  	_ =	shalt  }
0x72: {  	_ =	shalt  }
0x73: {  	_ =	shalt  }
0x74: {  	_ =	shalt  }
0x75: {  	_ =	shalt  }
0x76: {  	_ =	shalt  }
0x77: {  	_ =	shalt  }
0x78: {  	_ =	shalt  }
0x79: {  	_ =	shalt  }
0x7a: {  	_ =	shalt  }
0x7b: {  	_ =	shalt  }
0x7c: {  	_ =	shalt  }
0x7d: {  	_ =	shalt  }
0x7e: {  	_ =	shalt  }
0x7f: {  	_ =	shalt  }
0x80: {  	_ =	shalt  }
0x81: {  	_ =	shalt  }
0x82: {  	_ =	shalt  }
0x83: {  	_ =	shalt  }
0x84: {  	_ =	shalt  }
0x85: {  	_ =	shalt  }
0x86: {  	_ =	shalt  }
0x87: {  	_ =	shalt  }
.Lfunc_end0:
.L_simem_size_0:
called_computation_lowered:
.L_overlay_start_0:
0x88: {  	s2 =	sld [smem:$0x3FD9]  }
0x89: {  	s3 =	sld [smem:$0x3FFE];
	_ =	sdelay $0x1  }
0x8a: {  	s1 =	srdreg.scid  }
0x8b: {  	s0 =	sand.u32 $0x1, s1  }
0x8c: {  	s17 =	sshll.u32 s0, $0xA;
	s2 =	sadd.s32 s3, s2  }
0x8d: {  	s2 =	sadd.s32 s2, s17  }
0x8e: {  	[smem:$0x3FC6] =	sst s2  }
0x8f: {  	_ = 	snop  }
0x90: {  	s2 =	sld [smem:$0x3FD0];
	(tm) =	ssettm $0x1  }
0x91: {  	s18 =	sld [smem:$0x3FFB];
	_ =	sdelay $0x3  }
0x92: {  	_ =	strace s18  }
0x93: {  	s3 =	sld [smem:$0x3FFC];
	_ =	sdelay $0x3  }
0x94: {  	_ =	strace s3  }
0x95: {  	s3 =	sld [smem:$0x3FFD];
	_ =	sdelay $0x3  }
0x96: {  	_ =	strace s3  }
0x97: {  	_ =	strace $0x8FFFFFFF  }
0x98: {  	s19 =	sld [smem:$0x3FDB];
	_ =	sdelay $0x1  }
0x99: {  	s4 =	simm.s32 $_scs_section_size  }
0x9a: {  	s5 =	simm.s32 $_size__tile_overlayer_lowered;
	s6 =	simm.s32 $_tile_overlayer_lowered  }
0x9b: {  	s22 =	simm.s32 $0x1BFF;
	s21 =	sshll.u32 s6, $0x1;
	s3 =	sadd.s32 s4, s19  }
0x9c: {  	s7 =	simm.s32 $0x0;
	s20 =	sshll.u32 s5, $0x1;
	s5 =	sadd.s32 s21, s3  }
0x9d: {  	[timem:s7], [sflag:s22] =	dma.local [hbm:s5], s20  }
0x9e: {  	_ =	swait.ge [sflag:s22], s20  }
0x9f: {  	s4 =	ssub.s32 $0x0, s20;
	[sflag:s22] =	ssyncset.done $0x0  }
0xa0: {  	[sflag:s22] =	ssyncadd.s32 s4;
	_ =	sdelay $0x1  }
0xa1: {  	s23 =	simm.s32 $0x1B8B  }
0xa2: {  	_ =	swait.ge [sflag:s23], $0x1  }
0xa3: {  	[sflag:s23] =	ssyncset.done $0x0  }
0xa4: {  	s25 =	simm.s32 $0x1B8E;
	s24 =	sld [smem:$0x3FFE];
	[sflag:s23] =	ssyncadd.s32 $0xFFFFFFFF  }
0xa5: {  	s26 =	simm.s32 $execute0_lowered;
	[smem:$0x3FD2] =	sst s25  }
0xa6: {  	s5 =	sshll.u32 s26, $0x1;
	_ =	strace $0x80000046;
	[dreg:$0x1] =	wrdreg $0xFFFFFFFF  }
0xa7: {  	s28 =	simm.s32 $_size_execute0_lowered;
	s3 =	sadd.s32 s3, s5;
	[dreg:$0x0] =	wrdreg $0x0  }
0xa8: {  	s5 =	sshll.u32 s28, $0x1;
	[dreg:$0x2] =	wrdreg s3  }
0xa9: {  	[dreg:$0x3] =	wrdreg s5  }
0xaa: {  	[dreg:$0x4] =	wrdreg $0xC0  }
0xab: {  	_ =	task [dreg:s7], $0x5FFFF  }
0xac: {  	[dreg:$0x1] =	wrdreg $0xFFFFFFFF  }
0xad: {  	[dreg:$0x0] =	wrdreg $0x60  }
0xae: {  	[dreg:$0x2] =	wrdreg s2  }
0xaf: {  	[dreg:$0x3] =	wrdreg s24  }
0xb0: {  	[dreg:$0x4] =	wrdreg $0x9  }
0xb1: {  	_ =	task.clear_ibuf [dreg:s7], $0x5FFFF;
	_ =	strace $0x90000046  }
0xb2: {  	s29 =	simm.s32 $0x9;
	_ =	strace $0x80000048  }
0xb3: {  	_ =	swait.ge [sflag:s29], $0x1  }
0xb4: {  	[sflag:s29] =	ssyncadd.s32 $0xFFFFFFFF  }
0xb5: {  	_ =	strace $0x90000048  }
0xb6: {  	_ =	sfence  }
0xb7: {  	s30 =	sld [smem:$0x0];
	_ =	sdelay $0x2  }
0xb8: {  	s31 =	sshll.u32 s1, $0xD;
	s1 =	sshrl.u32 s1, $0x2  }
0xb9: {  	s3 =	sand.u32 $0x4000, s31;
	s1 =	sadd.s32 s1, s30  }
0xba: {  	s0 =	sor.u32 s3, s0;
	s1 =	sshll.u32 s1, $0x11  }
0xbb: {  	s0 =	sor.u32 s1, s0  }
0xbc: {  	s0 =	sadd.s32 $0x8F2B, s0  }
0xbd: {  	[sflag:s0] =	ssyncadd.remote.s32 $0x1  }
0xbe: {  	_ =	sfence.sel $0xFFFF  }
0xbf: {  	[dreg:$0x0] =	wrdreg $0xFFFFFFFF;
	(pc) =	sbr.abs _section_cstart, $3  }
0xc0: {  	[dreg:$0x1] =	wrdreg $0xFFFFFFFF  }
0xc1: {  	_ =	task.clear_ibuf [dreg:s7], $0x2FFFF;
	_ =	strace $0x9FFFFFFF  }
0xc2: {  	(tm) =	ssettm $0x7FFFFFFF  }
0xc3: {  	_ =	shalt  }
tec
execute0_lowered:
.L_overlay_start_1:
0x0: {  	(tag) =	ssettag $0x1  }
0x1: {  	s0 =	rddreg [dreg:$0x0];
	s1 =	srdreg.scid  }
0x2: {  	s2 =	stileid.u32;
	s5 =	rddreg [dreg:$0x1]  }
0x3: {  	s28 =	simm.s32 $0x1;
	s1 =	sand.u32 $0x1, s1;
	s3 =	sshll.u32 s2, $0x1  }
0x4: {  	s29 =	simm.s32 $0x2;
	s30 =	simm.s32 $0x3;
	s4 =	sor.u32 s1, s3  }
0x5: {  	s31 =	simm.s32 $0x4;
	s2 =	simm.s32 $0x0;
	s3 =	smul.u32 $0xC8, s4  }
0x6: {  	[smem:$0x7FF] =	sst s2;
	s1 =	ssub.s32 $0x2, s1;
	s7 =	smul.u32 $0xC80, s4  }
0x7: {  	_ =	strace $0x80000047;
	s6 =	sshrl.u32 s1, $0x1;
	s4 =	sadd.s32 $0x400, s5  }
0x8: {  	s5 =	sadd.s32 $0xF42800, s5;
	s1 =	ssub.s32 s1, s6;
	s0 =	sadd.s32 s0, s7  }
0x9: {  	s7 =	sor.u32 $0x1, s3;
	s8 =	sor.u32 $0x2, s3;
	s9 =	sor.u32 $0x3, s3  }
0xa: {  	s10 =	sor.u32 $0x4, s3;
	s13 =	sadd.s32 $0xC3, s3;
	s12 =	sadd.s32 $0xC4, s3  }
0xb: {  	s17 =	sadd.s32 $0xC5, s3;
	s21 =	sadd.s32 $0xC6, s3;
	s26 =	smax.u32 s1, $0x1  }
0xc: {  	s1 =	simm.s32 $0x5;
	[dreg:$0x3] =	wrdreg s0;
	s14 =	sshll.u32 s13, $0xD  }
0xd: {  	s11 =	sshll.u32 s13, $0xE;
	s15 =	sshll.u32 s12, $0xE;
	s19 =	sshll.u32 s17, $0xE  }
0xe: {  	s20 =	sshll.u32 s17, $0xD;
	s22 =	sshll.u32 s21, $0xD;
	[dreg:$0x4] =	wrdreg s26  }
0xf: {  	s6 =	sand.u32 $0x7F00000, s14;
	s0 =	sor.u32 s13, s11;
	s13 =	sshll.u32 s12, $0xD  }
0x10: {  	s11 =	sor.u32 s12, s15;
	s14 =	sadd.s32 $0xC7, s3;
	s15 =	sshll.u32 s21, $0xE  }
0x11: {  	s0 =	sand.u32 $0xEC040, s0;
	s16 =	sand.u32 $0x7F00000, s13;
	s11 =	sand.u32 $0xF0040, s11  }
0x12: {  	s13 =	sor.u32 s21, s15;
	s23 =	sshll.u32 s14, $0xD;
	s21 =	simm.s32 $0x7  }
0x13: {  	s0 =	sor.u32 s6, s0;
	s6 =	sor.u32 s16, s11;
	s16 =	sshll.u32 s14, $0xE  }
0x14: {  	s13 =	sand.u32 $0xF8040, s13;
	s15 =	sand.u32 $0x7F00000, s23;
	s23 =	simm.s32 $0x8  }
0x15: {  	s0 =	sshrl.u32 s0, $0x3;
	s18 =	sshrl.u32 s6, $0x3;
	s6 =	sor.u32 s17, s19  }
0x16: {  	s14 =	sor.u32 s14, s16;
	s17 =	simm.s32 $0x0;
	s11 =	sadd.s32 s5, s0  }
0x17: {  	s12 =	sadd.s32 s5, s18;
	s0 =	sand.u32 $0x7F00000, s20;
	s6 =	sand.u32 $0xF4040, s6  }
0x18: {  	s14 =	sand.u32 $0xFC040, s14;
	s18 =	simm.s32 $0x80;
	s0 =	sor.u32 s0, s6  }
0x19: {  	s6 =	sand.u32 $0x7F00000, s22;
	s14 =	sor.u32 s15, s14;
	s0 =	sshrl.u32 s0, $0x3  }
0x1a: {  	s6 =	sor.u32 s6, s13;
	s25 =	sshrl.u32 s14, $0x3;
	s13 =	sadd.s32 s5, s0  }
0x1b: {  	s24 =	sshrl.u32 s6, $0x3;
	s15 =	sadd.s32 s5, s25;
	s0 =	simm.s32 $0x6  }
0x1c: {  	s25 =	simm.s32 $0x9;
	s6 =	simm.s32 $0xA;
	s14 =	sadd.s32 s5, s24  }
.LBB2_1:
0x1d: {  	[dreg:$0x5] =	wrdreg s17  }
0x1e: {  	s16 =	rddreg [dreg:$0x3];
	s22 =	simm.s32 $0xB  }
0x1f: {  	[tilespmem:s2], [sflag:$0xB] =	stream.linear.gather [hbm4b:s16+s2], $0x6400, $0x38;
	[tilespmem:$0x1A400] =	vst v63  }
0x20: {  	_ =	swait.ge [sflag:s22], $0x6400  }
0x21: {  	[sflag:s22] =	ssyncset.done $0x0  }
0x22: {  	s24 =	simm.s32 $0x6400;
	[sflag:s22] =	ssyncadd.s32 $0xFFFF9C00  }
0x23: {  	[tilespmem:s24], [sflag:$0x1] =	stream.indirect.gather [hbm4b:s4+s18], $0x80, s2, s18, $0xb8;
	[tilespmem:$0x1A400] =	vst v63  }
0x24: {  	s26 =	simm.s32 $0xA400  }
0x25: {  	[tilespmem:s26], [sflag:$0x2] =	stream.indirect.gather [hbm4b:s4+s18], $0x80, s18, s18, $0xb8;
	[tilespmem:$0x1A400] =	vst v63  }
0x26: {  	s17 =	simm.s32 $0x100;
	s19 =	simm.s32 $0xE400  }
0x27: {  	[tilespmem:s19], [sflag:$0x3] =	stream.indirect.gather [hbm4b:s4+s18], $0x80, s17, s18, $0xb8;
	[tilespmem:$0x1A400] =	vst v63  }
0x28: {  	s20 =	simm.s32 $0x180;
	s22 =	simm.s32 $0x12400  }
0x29: {  	[tilespmem:s22], [sflag:$0x4] =	stream.indirect.gather [hbm4b:s4+s18], $0x80, s20, s18, $0xb8;
	[tilespmem:$0x1A400] =	vst v63  }
0x2a: {  	s24 =	simm.s32 $0x200;
	s26 =	simm.s32 $0x16400;
	s17 =	simm.s32 $0x0  }
0x2b: {  	[tilespmem:s26], [sflag:$0x5] =	stream.indirect.gather [hbm4b:s4+s18], $0x80, s24, s18, $0xb8;
	[tilespmem:$0x1A400] =	vst v63  }
.LBB2_2:
0x2c: {  	s16 =	smul.u32 $0x5, s17;
	_ =	sdelay $0x1  }
0x2d: {  	s19 =	sadd.s32 s3, s16  }
0x2e: {  	s20 =	sshll.u32 s19, $0xE  }
0x2f: {  	s22 =	sshll.u32 s19, $0xD;
	s19 =	sand.u32 $0x40, s19;
	s20 =	sand.u32 $0xFC000, s20  }
0x30: {  	s22 =	sand.u32 $0x7FF00000, s22;
	s19 =	sor.u32 s19, s20  }
0x31: {  	_ =	swait.ge [sflag:s28], $0x4000;
	s19 =	sor.u32 s22, s19  }
0x32: {  	[sflag:s28] =	ssyncset.done $0x0;
	s19 =	sshrl.u32 s19, $0x3  }
0x33: {  	s24 =	simm.s32 $0x6480;
	[sflag:s28] =	ssyncadd.s32 $0xFFFFC000;
	s19 =	sadd.s32 s5, s19  }
0x34: {  	s20 =	simm.s32 $0x6400;
	s22 =	simm.s32 $0x10;
	s26 =	sadd.s32 $0x0, s19  }
.LBB2_3:
0x35: {  	[hbm4b:s26+s2] =	stream.linear.scatter [tilespmem:s20], [sflag:$0x6], $0x40, $0x38;
	[tilespmem:$0x1A400] =	vst v63  }
0x36: {  	s26 =	smov.u32 s22;
	s20 =	smov.u32 s24;
	p0 =	sne.s32 s22, $0x7F0  }
.Ltmp0:
0x37: {  	s22 =	sadd.s32 $0x10, s22;
	(pc) =	sbr.rel @p0 .LBB2_3-.Ltmp0, $2  }
0x38: {  	_ =	sdelay $0x2  }
0x39: {  	s24 =	sadd.s32 $0x80, s24;
	s26 =	sadd.s32 s26, s19  }
0x3a: {  	[hbm4b:s26+s2] =	stream.linear.scatter [tilespmem:s20], [sflag:$0x6], $0x40, $0x38;
	[tilespmem:$0x1A400] =	vst v63  }
0x3b: {  	s19 =	sadd.s32 s16, s7  }
0x3c: {  	s26 =	sshll.u32 s19, $0xE  }
0x3d: {  	s22 =	sshll.u32 s19, $0xD;
	s19 =	sand.u32 $0x40, s19;
	s20 =	sand.u32 $0xFC000, s26  }
0x3e: {  	s22 =	sand.u32 $0x7FF00000, s22;
	s19 =	sor.u32 s19, s20  }
0x3f: {  	_ =	swait.ge [sflag:s29], $0x4000;
	s19 =	sor.u32 s22, s19  }
0x40: {  	[sflag:s29] =	ssyncset.done $0x0;
	s19 =	sshrl.u32 s19, $0x3  }
0x41: {  	s24 =	simm.s32 $0xA480;
	[sflag:s29] =	ssyncadd.s32 $0xFFFFC000;
	s19 =	sadd.s32 s5, s19  }
0x42: {  	s20 =	simm.s32 $0xA400;
	s22 =	simm.s32 $0x10;
	s26 =	sadd.s32 $0x0, s19  }
.LBB2_5:
0x43: {  	[hbm4b:s26+s2] =	stream.linear.scatter [tilespmem:s20], [sflag:$0x7], $0x40, $0x38;
	[tilespmem:$0x1A400] =	vst v63  }
0x44: {  	s26 =	smov.u32 s22;
	s20 =	smov.u32 s24;
	p0 =	sne.s32 s22, $0x7F0  }
.Ltmp1:
0x45: {  	s22 =	sadd.s32 $0x10, s22;
	(pc) =	sbr.rel @p0 .LBB2_5-.Ltmp1, $2  }
0x46: {  	_ =	sdelay $0x2  }
0x47: {  	s24 =	sadd.s32 $0x80, s24;
	s26 =	sadd.s32 s26, s19  }
0x48: {  	[hbm4b:s26+s2] =	stream.linear.scatter [tilespmem:s20], [sflag:$0x7], $0x40, $0x38;
	[tilespmem:$0x1A400] =	vst v63  }
0x49: {  	s19 =	sadd.s32 s16, s8  }
0x4a: {  	s26 =	sshll.u32 s19, $0xE  }
0x4b: {  	s22 =	sshll.u32 s19, $0xD;
	s19 =	sand.u32 $0x40, s19;
	s20 =	sand.u32 $0xFC000, s26  }
0x4c: {  	s22 =	sand.u32 $0x7FF00000, s22;
	s19 =	sor.u32 s19, s20  }
0x4d: {  	_ =	swait.ge [sflag:s30], $0x4000;
	s19 =	sor.u32 s22, s19  }
0x4e: {  	[sflag:s30] =	ssyncset.done $0x0;
	s19 =	sshrl.u32 s19, $0x3  }
0x4f: {  	s24 =	simm.s32 $0xE480;
	[sflag:s30] =	ssyncadd.s32 $0xFFFFC000;
	s19 =	sadd.s32 s5, s19  }
0x50: {  	s20 =	simm.s32 $0xE400;
	s22 =	simm.s32 $0x10;
	s26 =	sadd.s32 $0x0, s19  }
.LBB2_7:
0x51: {  	[hbm4b:s26+s2] =	stream.linear.scatter [tilespmem:s20], [sflag:$0x8], $0x40, $0x38;
	[tilespmem:$0x1A400] =	vst v63  }
0x52: {  	s26 =	smov.u32 s22;
	s20 =	smov.u32 s24;
	p0 =	sne.s32 s22, $0x7F0  }
.Ltmp2:
0x53: {  	s22 =	sadd.s32 $0x10, s22;
	(pc) =	sbr.rel @p0 .LBB2_7-.Ltmp2, $2  }
0x54: {  	_ =	sdelay $0x2  }
0x55: {  	s24 =	sadd.s32 $0x80, s24;
	s26 =	sadd.s32 s26, s19  }
0x56: {  	[hbm4b:s26+s2] =	stream.linear.scatter [tilespmem:s20], [sflag:$0x8], $0x40, $0x38;
	[tilespmem:$0x1A400] =	vst v63  }
0x57: {  	s19 =	sadd.s32 s16, s9  }
0x58: {  	s26 =	sshll.u32 s19, $0xE  }
0x59: {  	s22 =	sshll.u32 s19, $0xD;
	s19 =	sand.u32 $0x40, s19;
	s20 =	sand.u32 $0xFC000, s26  }
0x5a: {  	s22 =	sand.u32 $0x7FF00000, s22;
	s19 =	sor.u32 s19, s20  }
0x5b: {  	_ =	swait.ge [sflag:s31], $0x4000;
	s19 =	sor.u32 s22, s19  }
0x5c: {  	[sflag:s31] =	ssyncset.done $0x0;
	s19 =	sshrl.u32 s19, $0x3  }
0x5d: {  	s24 =	simm.s32 $0x12480;
	[sflag:s31] =	ssyncadd.s32 $0xFFFFC000;
	s19 =	sadd.s32 s5, s19  }
0x5e: {  	s20 =	simm.s32 $0x12400;
	s22 =	simm.s32 $0x10;
	s26 =	sadd.s32 $0x0, s19  }
.LBB2_9:
0x5f: {  	[hbm4b:s26+s2] =	stream.linear.scatter [tilespmem:s20], [sflag:$0x9], $0x40, $0x38;
	[tilespmem:$0x1A400] =	vst v63  }
0x60: {  	s26 =	smov.u32 s22;
	s20 =	smov.u32 s24;
	p0 =	sne.s32 s22, $0x7F0  }
.Ltmp3:
0x61: {  	s22 =	sadd.s32 $0x10, s22;
	(pc) =	sbr.rel @p0 .LBB2_9-.Ltmp3, $2  }
0x62: {  	_ =	sdelay $0x2  }
0x63: {  	s24 =	sadd.s32 $0x80, s24;
	s26 =	sadd.s32 s26, s19  }
0x64: {  	[hbm4b:s26+s2] =	stream.linear.scatter [tilespmem:s20], [sflag:$0x9], $0x40, $0x38;
	[tilespmem:$0x1A400] =	vst v63  }
0x65: {  	s16 =	sadd.s32 s16, s10  }
0x66: {  	s19 =	sshll.u32 s16, $0xE  }
0x67: {  	s26 =	sshll.u32 s16, $0xD;
	s16 =	sand.u32 $0x40, s16;
	s19 =	sand.u32 $0xFC000, s19  }
0x68: {  	s20 =	sand.u32 $0x7FF00000, s26;
	s16 =	sor.u32 s16, s19  }
0x69: {  	_ =	swait.ge [sflag:s1], $0x4000;
	s16 =	sor.u32 s20, s16  }
0x6a: {  	[sflag:s1] =	ssyncset.done $0x0;
	s16 =	sshrl.u32 s16, $0x3  }
0x6b: {  	s22 =	simm.s32 $0x16480;
	[sflag:s1] =	ssyncadd.s32 $0xFFFFC000;
	s16 =	sadd.s32 s5, s16  }
0x6c: {  	s19 =	simm.s32 $0x16400;
	s20 =	simm.s32 $0x10;
	s24 =	sadd.s32 $0x0, s16  }
.LBB2_11:
0x6d: {  	[hbm4b:s24+s2] =	stream.linear.scatter [tilespmem:s19], [sflag:$0xA], $0x40, $0x38;
	[tilespmem:$0x1A400] =	vst v63  }
0x6e: {  	s24 =	smov.u32 s20;
	s19 =	smov.u32 s22;
	p0 =	sne.s32 s20, $0x7F0  }
.Ltmp4:
0x6f: {  	s20 =	sadd.s32 $0x10, s20;
	(pc) =	sbr.rel @p0 .LBB2_11-.Ltmp4, $2  }
0x70: {  	_ =	sdelay $0x2  }
0x71: {  	s22 =	sadd.s32 $0x80, s22;
	s24 =	sadd.s32 s24, s16  }
0x72: {  	[hbm4b:s24+s2] =	stream.linear.scatter [tilespmem:s19], [sflag:$0xA], $0x40, $0x38;
	[tilespmem:$0x1A400] =	vst v63  }
0x73: {  	s17 =	sadd.s32 $0x1, s17  }
0x74: {  	_ =	swait.ge [sflag:s0], $0x2000;
	s16 =	smul.u32 $0xA00, s17  }
0x75: {  	[sflag:s0] =	ssyncset.done $0x0  }
0x76: {  	s20 =	simm.s32 $0x6400;
	[sflag:s0] =	ssyncadd.s32 $0xFFFFE000;
	s16 =	sshra.s32 s16, $0x2  }
0x77: {  	[tilespmem:s20], [sflag:$0x1] =	stream.indirect.gather [hbm4b:s4+s18], $0x80, s16, s18, $0xb8;
	[tilespmem:$0x1A400] =	vst v63  }
0x78: {  	_ =	swait.ge [sflag:s21], $0x2000  }
0x79: {  	[sflag:s21] =	ssyncset.done $0x0  }
0x7a: {  	s22 =	sadd.s32 $0x80, s16;
	s20 =	simm.s32 $0xA400;
	[sflag:s21] =	ssyncadd.s32 $0xFFFFE000  }
0x7b: {  	[tilespmem:s20], [sflag:$0x2] =	stream.indirect.gather [hbm4b:s4+s18], $0x80, s22, s18, $0xb8;
	[tilespmem:$0x1A400] =	vst v63  }
0x7c: {  	_ =	swait.ge [sflag:s23], $0x2000  }
0x7d: {  	[sflag:s23] =	ssyncset.done $0x0  }
0x7e: {  	s26 =	simm.s32 $0xE400;
	s24 =	sadd.s32 $0x100, s16;
	[sflag:s23] =	ssyncadd.s32 $0xFFFFE000  }
0x7f: {  	[tilespmem:s26], [sflag:$0x3] =	stream.indirect.gather [hbm4b:s4+s18], $0x80, s24, s18, $0xb8;
	[tilespmem:$0x1A400] =	vst v63  }
0x80: {  	_ =	swait.ge [sflag:s25], $0x2000  }
0x81: {  	p0 =	sne.s32 s17, $0x27;
	[sflag:s25] =	ssyncset.done $0x0  }
0x82: {  	s22 =	sadd.s32 $0x180, s16;
	s24 =	simm.s32 $0x12400;
	[sflag:s25] =	ssyncadd.s32 $0xFFFFE000  }
0x83: {  	[tilespmem:s24], [sflag:$0x4] =	stream.indirect.gather [hbm4b:s4+s18], $0x80, s22, s18, $0xb8;
	[tilespmem:$0x1A400] =	vst v63  }
.Ltmp5:
0x84: {  	_ = 	snop;
	(pc) =	sbr.rel @p0 .LBB2_2-.Ltmp5, $4  }
0x85: {  	_ =	swait.ge [sflag:s6], $0x2000  }
0x86: {  	[sflag:s6] =	ssyncset.done $0x0  }
0x87: {  	s16 =	sadd.s32 $0x200, s16;
	s26 =	simm.s32 $0x16400;
	[sflag:s6] =	ssyncadd.s32 $0xFFFFE000  }
0x88: {  	[tilespmem:s26], [sflag:$0x5] =	stream.indirect.gather [hbm4b:s4+s18], $0x80, s16, s18, $0xb8;
	[tilespmem:$0x1A400] =	vst v63  }
0x89: {  	_ =	swait.ge [sflag:s28], $0x4000  }
0x8a: {  	s16 =	simm.s32 $0x6400;
	s17 =	simm.s32 $0x10;
	[sflag:s28] =	ssyncset.done $0x0  }
0x8b: {  	s20 =	sadd.s32 $0x0, s11;
	s19 =	simm.s32 $0x6480;
	[sflag:s28] =	ssyncadd.s32 $0xFFFFC000  }
.LBB2_14:
0x8c: {  	[hbm4b:s20+s2] =	stream.linear.scatter [tilespmem:s16], [sflag:$0x6], $0x40, $0x38;
	[tilespmem:$0x1A400] =	vst v63  }
0x8d: {  	s20 =	smov.u32 s17;
	s16 =	smov.u32 s19;
	p0 =	sne.s32 s17, $0x7F0  }
.Ltmp6:
0x8e: {  	s17 =	sadd.s32 $0x10, s17;
	(pc) =	sbr.rel @p0 .LBB2_14-.Ltmp6, $2  }
0x8f: {  	_ =	sdelay $0x2  }
0x90: {  	s19 =	sadd.s32 $0x80, s19;
	s20 =	sadd.s32 s20, s11  }
0x91: {  	[hbm4b:s20+s2] =	stream.linear.scatter [tilespmem:s16], [sflag:$0x6], $0x40, $0x38;
	[tilespmem:$0x1A400] =	vst v63  }
0x92: {  	_ =	swait.ge [sflag:s29], $0x4000  }
0x93: {  	s16 =	simm.s32 $0xA400;
	s17 =	simm.s32 $0x10;
	[sflag:s29] =	ssyncset.done $0x0  }
0x94: {  	s20 =	sadd.s32 $0x0, s12;
	s19 =	simm.s32 $0xA480;
	[sflag:s29] =	ssyncadd.s32 $0xFFFFC000  }
.LBB2_16:
0x95: {  	[hbm4b:s20+s2] =	stream.linear.scatter [tilespmem:s16], [sflag:$0x7], $0x40, $0x38;
	[tilespmem:$0x1A400] =	vst v63  }
0x96: {  	s20 =	smov.u32 s17;
	s16 =	smov.u32 s19;
	p0 =	sne.s32 s17, $0x7F0  }
.Ltmp7:
0x97: {  	s17 =	sadd.s32 $0x10, s17;
	(pc) =	sbr.rel @p0 .LBB2_16-.Ltmp7, $2  }
0x98: {  	_ =	sdelay $0x2  }
0x99: {  	s19 =	sadd.s32 $0x80, s19;
	s20 =	sadd.s32 s20, s12  }
0x9a: {  	[hbm4b:s20+s2] =	stream.linear.scatter [tilespmem:s16], [sflag:$0x7], $0x40, $0x38;
	[tilespmem:$0x1A400] =	vst v63  }
0x9b: {  	_ =	swait.ge [sflag:s30], $0x4000  }
0x9c: {  	s16 =	simm.s32 $0xE400;
	s17 =	simm.s32 $0x10;
	[sflag:s30] =	ssyncset.done $0x0  }
0x9d: {  	s20 =	sadd.s32 $0x0, s13;
	s19 =	simm.s32 $0xE480;
	[sflag:s30] =	ssyncadd.s32 $0xFFFFC000  }
.LBB2_18:
0x9e: {  	[hbm4b:s20+s2] =	stream.linear.scatter [tilespmem:s16], [sflag:$0x8], $0x40, $0x38;
	[tilespmem:$0x1A400] =	vst v63  }
0x9f: {  	s20 =	smov.u32 s17;
	s16 =	smov.u32 s19;
	p0 =	sne.s32 s17, $0x7F0  }
.Ltmp8:
0xa0: {  	s17 =	sadd.s32 $0x10, s17;
	(pc) =	sbr.rel @p0 .LBB2_18-.Ltmp8, $2  }
0xa1: {  	_ =	sdelay $0x2  }
0xa2: {  	s19 =	sadd.s32 $0x80, s19;
	s20 =	sadd.s32 s20, s13  }
0xa3: {  	[hbm4b:s20+s2] =	stream.linear.scatter [tilespmem:s16], [sflag:$0x8], $0x40, $0x38;
	[tilespmem:$0x1A400] =	vst v63  }
0xa4: {  	_ =	swait.ge [sflag:s31], $0x4000  }
0xa5: {  	s16 =	simm.s32 $0x12400;
	s17 =	simm.s32 $0x10;
	[sflag:s31] =	ssyncset.done $0x0  }
0xa6: {  	s20 =	sadd.s32 $0x0, s14;
	s19 =	simm.s32 $0x12480;
	[sflag:s31] =	ssyncadd.s32 $0xFFFFC000  }
.LBB2_20:
0xa7: {  	[hbm4b:s20+s2] =	stream.linear.scatter [tilespmem:s16], [sflag:$0x9], $0x40, $0x38;
	[tilespmem:$0x1A400] =	vst v63  }
0xa8: {  	s20 =	smov.u32 s17;
	s16 =	smov.u32 s19;
	p0 =	sne.s32 s17, $0x7F0  }
.Ltmp9:
0xa9: {  	s17 =	sadd.s32 $0x10, s17;
	(pc) =	sbr.rel @p0 .LBB2_20-.Ltmp9, $2  }
0xaa: {  	_ =	sdelay $0x2  }
0xab: {  	s19 =	sadd.s32 $0x80, s19;
	s20 =	sadd.s32 s20, s14  }
0xac: {  	[hbm4b:s20+s2] =	stream.linear.scatter [tilespmem:s16], [sflag:$0x9], $0x40, $0x38;
	[tilespmem:$0x1A400] =	vst v63  }
0xad: {  	_ =	swait.ge [sflag:s1], $0x4000  }
0xae: {  	s16 =	simm.s32 $0x16400;
	s17 =	simm.s32 $0x10;
	[sflag:s1] =	ssyncset.done $0x0  }
0xaf: {  	s20 =	sadd.s32 $0x0, s15;
	s19 =	simm.s32 $0x16480;
	[sflag:s1] =	ssyncadd.s32 $0xFFFFC000  }
.LBB2_22:
0xb0: {  	[hbm4b:s20+s2] =	stream.linear.scatter [tilespmem:s16], [sflag:$0xA], $0x40, $0x38;
	[tilespmem:$0x1A400] =	vst v63  }
0xb1: {  	s20 =	smov.u32 s17;
	s16 =	smov.u32 s19;
	p0 =	sne.s32 s17, $0x7F0  }
.Ltmp10:
0xb2: {  	s17 =	sadd.s32 $0x10, s17;
	(pc) =	sbr.rel @p0 .LBB2_22-.Ltmp10, $2  }
0xb3: {  	_ =	sdelay $0x2  }
0xb4: {  	s19 =	sadd.s32 $0x80, s19;
	s20 =	sadd.s32 s20, s15  }
0xb5: {  	[hbm4b:s20+s2] =	stream.linear.scatter [tilespmem:s16], [sflag:$0xA], $0x40, $0x38;
	[tilespmem:$0x1A400] =	vst v63  }
0xb6: {  	_ =	swait.ge [sflag:s0], $0x2000  }
0xb7: {  	[sflag:s0] =	ssyncset.done $0x0  }
0xb8: {  	[sflag:s0] =	ssyncadd.s32 $0xFFFFE000  }
0xb9: {  	_ =	swait.ge [sflag:s21], $0x2000  }
0xba: {  	[sflag:s21] =	ssyncset.done $0x0  }
0xbb: {  	[sflag:s21] =	ssyncadd.s32 $0xFFFFE000  }
0xbc: {  	_ =	swait.ge [sflag:s23], $0x2000  }
0xbd: {  	[sflag:s23] =	ssyncset.done $0x0  }
0xbe: {  	[sflag:s23] =	ssyncadd.s32 $0xFFFFE000  }
0xbf: {  	_ =	swait.ge [sflag:s25], $0x2000  }
0xc0: {  	[sflag:s25] =	ssyncset.done $0x0  }
0xc1: {  	[sflag:s25] =	ssyncadd.s32 $0xFFFFE000  }
0xc2: {  	_ =	swait.ge [sflag:s6], $0x2000  }
0xc3: {  	s17 =	rddreg [dreg:$0x5]  }
0xc4: {  	s26 =	rddreg [dreg:$0x4];
	s17 =	sadd.s32 $0x1, s17  }
0xc5: {  	p0 =	sne.s32 s17, s26  }
.Ltmp11:
0xc6: {  	_ = 	snop;
	(pc) =	sbr.rel @p0 .LBB2_1-.Ltmp11, $3  }
0xc7: {  	_ =	sdelay $0x1  }
0xc8: {  	[sflag:s6] =	ssyncset.done $0x0  }
0xc9: {  	[sflag:s6] =	ssyncadd.s32 $0xFFFFE000  }
0xca: {  	_ =	sfence.sel $0x180000  }
0xcb: {  	[bflag:$0x0] =	sbarrier.arrive $0xFFFF  }
0xcc: {  	_ =	strace $0x90000047  }
0xcd: {  	s0 =	stileid.u32;
	[bflag:$0x2] =	sbarrier.arrive $0xFFFF  }
0xce: {  	p0 =	sne.s32 s0, $0x0;
	s0 =	rddreg [dreg:$0x2]  }
0xcf: {  	s0 =	sadd.s32 @!p0 $0x100000, s0  }
0xd0: {  	[sflag:s0] =	ssyncadd.tile.s32 @!p0 $0x1;
	_ =	shalt  }
.Lfunc_end2:
_tile_overlayer_lowered:
.L_overlay_start_2:
0xd1: {  	(tag) =	ssettag $0x2  }
0xd2: {  	s0 =	rddreg [dreg:$0x0];
	s2 =	stileid.u32  }
0xd3: {  	s1 =	rddreg [dreg:$0x1];
	p0 =	sne.s32 s2, $0x0  }
0xd4: {  	s3 =	rddreg [dreg:$0x2];
	[bflag:$0x3] =	sbarrier.arrive $0xFFFF;
	s2 =	simm.s32 @!p0 $0x1C0B  }
0xd5: {  	[timem:s3], [sflag:s2] =	dma.local @!p0 [hbm:s0], s1  }
0xd6: {  	s0 =	simm.s32 @!p0 $0xB  }
0xd7: {  	_ =	swait.ge @!p0 [sflag:s0], s1  }
0xd8: {  	s1 =	ssub.s32 @!p0 $0x0, s1;
	[sflag:s0] =	ssyncset.done @!p0 $0x0  }
0xd9: {  	[sflag:s0] =	ssyncadd.s32 @!p0 s1  }
0xda: {  	[bflag:$0x3] =	sbarrier.arrive $0xFFFF  }
0xdb: {  	_ =	shalt  }

</sc_bundles>
